<compile_context>
chip_gen: v7x
topology: tpu7x:2x2x1
jax: 0.10.2.dev20260603
libtpu: 0.0.44.dev20260713+nightly
codegen_flags: <defaults>
</compile_context>

<pallas_src>
import functools

import jax
import jax.numpy as jnp
from jax import lax
from jax.experimental import pallas as pl
from jax.experimental.pallas import tpu as pltpu
from jax.experimental.pallas import tpu_sc as plsc

B, T, D = 4, 8192, 128
HID = 64
KSEL = 16
KD = 16
DM = 1024
ANCH = D + 3
TR = 64
TC_ = 128

_HI = lax.Precision.HIGHEST


def _mm(a, b):
    return jnp.dot(a, b, precision=_HI, preferred_element_type=jnp.float32)


def _mm16(a, b):
    return jnp.dot(a.astype(jnp.bfloat16), b.astype(jnp.bfloat16),
                   preferred_element_type=jnp.float32)


def _encoder_body(x_ref, w1_ref, b1_ref, w2_ref, b2_ref, wl_ref, bl_ref,
                  wp_ref, bp_ref, mu_ref, sg_ref, idx_ref, idxs_ref,
                  tok_ref):
    xb = x_ref[0]

    h = jnp.tanh(_mm16(xb, w1_ref[...]) + b1_ref[...])
    ev = _mm16(w2_ref[...], h.T) + b2_ref[...]
    sal2d = jax.nn.sigmoid(jnp.reshape(ev, (TR, TC_)))

    c0 = lax.broadcasted_iota(jnp.int32, (TC_, TC_), 0)
    c1 = lax.broadcasted_iota(jnp.int32, (TC_, TC_), 1)
    triu = (c0 <= c1).astype(jnp.float32)
    r0 = lax.broadcasted_iota(jnp.int32, (TR, TR), 0)
    r1 = lax.broadcasted_iota(jnp.int32, (TR, TR), 1)
    tril = (r1 < r0).astype(jnp.float32)
    within = _mm16(sal2d, triu)
    rowtot = jnp.sum(sal2d, axis=1, keepdims=True)
    offs = _mm(tril, rowtot)
    prefix = within + offs
    t0 = lax.broadcasted_iota(jnp.int32, (TR, TC_), 0)
    t1 = lax.broadcasted_iota(jnp.int32, (TR, TC_), 1)
    tpos = (t0 * TC_ + t1).astype(jnp.float32)
    cum2d = prefix / (tpos + 1.0)

    ones_row = jnp.ones((1, T), jnp.bfloat16)
    mean_x = _mm16(ones_row, xb) * (1.0 / T)
    mean_sal = jnp.sum(sal2d, keepdims=True) * (1.0 / T)
    mean_cum = jnp.sum(cum2d, keepdims=True) * (1.0 / T)
    mean_t = jnp.full((1, 1), (T - 1) / (2.0 * T), jnp.float32)
    mean_vec = jnp.concatenate([mean_x, mean_sal, mean_t, mean_cum], axis=1)

    x_sel = jnp.concatenate(
        [x_ref[0, pl.ds(idxs_ref[0, 0, k], 1), :] for k in range(KSEL)],
        axis=0)

    idx = idx_ref[0][:, :1]
    ridx = idx // TC_
    cidx = idx % TC_
    orow = (lax.broadcasted_iota(jnp.int32, (KSEL, TR), 1) == ridx
            ).astype(jnp.float32)
    ocol = (lax.broadcasted_iota(jnp.int32, (KSEL, TC_), 1) == cidx
            ).astype(jnp.float32)
    sal_sel = jnp.sum(_mm(orow, sal2d) * ocol, axis=1, keepdims=True)
    cum_sel = jnp.sum(_mm(orow, cum2d) * ocol, axis=1, keepdims=True)
    t_sel = idx.astype(jnp.float32) * (1.0 / T)

    dense_sel = jnp.concatenate([x_sel, sal_sel, t_sel, cum_sel], axis=1)
    normed = (dense_sel - mean_vec - mu_ref[...]) / sg_ref[...]
    lifted = _mm(normed, wl_ref[...]) + bl_ref[...]
    tok_ref[0] = _mm(lifted, wp_ref[...]) + bp_ref[...]


@jax.jit
def kernel(x, W1, b1, W2, b2, W_lift, b_lift, W_proj, b_proj, mu, sigma,
           rand_idx):
    full = lambda shape: pl.BlockSpec(shape, lambda b: (0,) * len(shape))
    grid_spec = pl.GridSpec(
        grid=(B,),
        in_specs=[
            pl.BlockSpec((1, T, D), lambda b: (b, 0, 0)),
            full((D, HID)),
            full((1, HID)),
            full((1, HID)),
            full((1, 1)),
            full((ANCH, KD)),
            full((1, KD)),
            full((KD, DM)),
            full((1, DM)),
            full((1, ANCH)),
            full((1, ANCH)),
            pl.BlockSpec((1, KSEL, 1), lambda b: (b, 0, 0)),
            pl.BlockSpec((1, 1, KSEL), lambda b: (b, 0, 0),
                         memory_space=pltpu.SMEM),
        ],
        out_specs=[
            pl.BlockSpec((1, KSEL, DM), lambda b: (b, 0, 0)),
        ],
    )
    tokens, = pl.pallas_call(
        _encoder_body,
        grid_spec=grid_spec,
        out_shape=[
            jax.ShapeDtypeStruct((B, KSEL, DM), jnp.float32),
        ],
    )(x, W1, b1.reshape(1, HID), W2.reshape(1, HID), b2.reshape(1, 1),
      W_lift, b_lift.reshape(1, KD), W_proj, b_proj.reshape(1, DM),
      mu.reshape(1, ANCH), sigma.reshape(1, ANCH),
      rand_idx.reshape(B, KSEL, 1), rand_idx.reshape(B, 1, KSEL))
    flat_idx = (rand_idx.astype(jnp.int32)
                + (jnp.arange(B, dtype=jnp.int32) * T)[:, None]).reshape(-1)
    y_star = _scatter_mask_sc(flat_idx).reshape(B, T)
    return tokens, y_star



_NC, _NS = 2, 16
_NW = _NC * _NS
_CHUNK = (B * T) // _NW
_SC_L = 16


@functools.partial(
    pl.kernel,
    out_type=jax.ShapeDtypeStruct((B * T,), jnp.float32),
    mesh=plsc.VectorSubcoreMesh(core_axis_name="c", subcore_axis_name="s",
                                num_cores=_NC, num_subcores=_NS),
    scratch_types=[
        pltpu.VMEM((_CHUNK,), jnp.float32),
        pltpu.VMEM((B * KSEL,), jnp.int32),
    ],
    compiler_params=pltpu.CompilerParams(needs_layout_passes=False),
)
def _scatter_mask_sc(idx_hbm, y_hbm, yv, idxv):
    wid = lax.axis_index("s") * _NC + lax.axis_index("c")
    base = wid * _CHUNK
    pltpu.sync_copy(idx_hbm, idxv)
    zeros = jnp.zeros((_SC_L,), jnp.float32)
    for i in range(_CHUNK // _SC_L):
        yv[pl.ds(i * _SC_L, _SC_L)] = zeros
    ones = jnp.ones((_SC_L,), jnp.float32)
    for c in range(B * KSEL // _SC_L):
        loc = idxv[pl.ds(c * _SC_L, _SC_L)] - base
        m = (loc >= 0) & (loc < _CHUNK)
        plsc.store_scatter(yv, [loc], ones, mask=m)
    pltpu.sync_copy(yv, y_hbm.at[pl.ds(base, _CHUNK)])

# --- scband reference (transcript-rebuilt; emitter-appended) ---
"""Pipeline reference for scband-encoder-random-selection-7705171329185 (READ-ONLY COPY).

The authoritative reference and input builder live on the scoring server;
editing this copy changes nothing except your own understanding.
"""

import jax, jax.numpy as jnp
import numpy as np

B, T, D = 4, 8192, 128
HIDDEN = 64
K_DIM = 16
D_MODEL = 1024
MAX_PROXY = 16
ANCHOR = D + 3


def setup_inputs(seed: int = 0) -> dict:
    key = jax.random.key(seed)
    ks = jax.random.split(key, 8)
    x = jax.random.normal(ks[0], (B, T, D), dtype=jnp.float32)
    W1 = jax.random.normal(ks[1], (D, HIDDEN), dtype=jnp.float32) * (1.0 / np.sqrt(D))
    b1 = jnp.zeros((HIDDEN,), dtype=jnp.float32)
    W2 = jax.random.normal(ks[2], (HIDDEN, 1), dtype=jnp.float32) * (1.0 / np.sqrt(HIDDEN))
    b2 = jnp.zeros((1,), dtype=jnp.float32)
    W_lift = jax.random.normal(ks[3], (ANCHOR, K_DIM), dtype=jnp.float32) * (1.0 / np.sqrt(ANCHOR))
    b_lift = jnp.zeros((K_DIM,), dtype=jnp.float32)
    W_proj = jax.random.normal(ks[4], (K_DIM, D_MODEL), dtype=jnp.float32) * (1.0 / np.sqrt(K_DIM))
    b_proj = jnp.zeros((D_MODEL,), dtype=jnp.float32)
    mu = jnp.zeros((ANCHOR,), dtype=jnp.float32)
    sigma = jnp.ones((ANCHOR,), dtype=jnp.float32)
    K_eff = min(T, MAX_PROXY)
    perm_keys = jax.random.split(ks[5], B)
    rand_idx = jax.vmap(lambda k: jax.random.permutation(k, T)[:K_eff])(perm_keys).astype(jnp.int32)
    return {"x": x, "W1": W1, "b1": b1, "W2": W2, "b2": b2,
            "W_lift": W_lift, "b_lift": b_lift, "W_proj": W_proj, "b_proj": b_proj,
            "mu": mu, "sigma": sigma, "rand_idx": rand_idx}


def reference(x, W1, b1, W2, b2, W_lift, b_lift, W_proj, b_proj, mu, sigma, rand_idx):
    Bx, Tx, _ = x.shape
    # CausalEventModel: per-timestep MLP producing event scores + saliency
    h = jnp.tanh(jnp.einsum('btd,dh->bth', x, W1) + b1)
    event_scores = jnp.einsum('bth,ho->bto', h, W2) + b2
    saliency = jax.nn.sigmoid(event_scores[..., 0])  # [B, T]
    # random selection mask y_star via scatter-overwrite
    y_star = jnp.zeros((Bx, Tx), dtype=x.dtype).at[jnp.arange(Bx)[:, None], rand_idx].set(1.0)
    # dense_anchor_vectors: concat x with 3 anchor features (saliency, normalized time, running mean saliency)
    t_norm = jnp.broadcast_to(jnp.arange(Tx, dtype=x.dtype) / Tx, (Bx, Tx))
    cum = jnp.cumsum(saliency, axis=1) / (jnp.arange(Tx, dtype=x.dtype) + 1.0)
    extra = jnp.stack([saliency, t_norm, cum], axis=-1)
    dense = jnp.concatenate([x, extra], axis=-1)  # [B, T, ANCHOR]
    # topology_project_torch: center the point cloud over T
    dense = dense - jnp.mean(dense, axis=1, keepdims=True)
    # NormalizedLift: normalize then linear lift to k_dim
    normed = (dense - mu) / sigma
    lifted = jnp.einsum('bta,ak->btk', normed, W_lift) + b_lift  # [B, T, K_DIM]
    # gather K random proxy points per sample
    K_eff = rand_idx.shape[1]
    idx_exp = jnp.broadcast_to(rand_idx[:, :, None], (Bx, K_eff, lifted.shape[-1]))
    cloud = jnp.take_along_axis(lifted, idx_exp, axis=1)  # [B, K_eff, K_DIM]
    tokens = jnp.einsum('bkc,cd->bkd', cloud, W_proj) + b_proj  # [B, K_eff, D_MODEL]
    return (tokens, y_star)

if __name__ == "__main__":
    import jax
    _d = setup_inputs()
    print(jax.jit(kernel)(*tuple(_d.values())))

</pallas_src>

<mosaic_0001>
#map = affine_map<(d0, d1) -> (0)>
module attributes {stable_mosaic.version = 14 : i64} {
  func.func @_scatter_mask_sc(%arg0: i32, %arg1: i32, %arg2: memref<64xi32, #tpu.memory_space<hbm>>, %arg3: memref<32768xf32, #tpu.memory_space<hbm>>, %arg4: memref<1024xf32, #tpu.memory_space<vmem>>, %arg5: memref<64xi32, #tpu.memory_space<vmem>>) attributes {dimension_semantics = [#tpu.dimension_semantics<core_parallel>, #tpu.dimension_semantics<subcore_parallel>], iteration_bounds = array<i64: 2, 16>, scalar_prefetch = 0 : i64, scratch_operands = 2 : i64, tpu.core_type = #tpu.core_type<sc_vector_subcore>, window_params = [{transform_indices = #map}, {transform_indices = #map}]} {
    %mul3A = arith.constant 2 : i32
    %mul3A_0 = arith.muli %arg1, %mul3A : i32
    %add3A = arith.addi %mul3A_0, %arg0 : i32
    %mul3A_1 = arith.constant 1024 : i32
    %mul3A_2 = arith.muli %add3A, %mul3A_1 : i32
    "tpu.region"() ({
      %run_scoped3A = tpu.sem_alloc : memref<!tpu.dma_semaphore, #tpu.memory_space<semaphore_mem>>
      tpu.enqueue_dma source(%arg2 : memref<64xi32, #tpu.memory_space<hbm>>) target(%arg5 : memref<64xi32, #tpu.memory_space<vmem>>) target_semaphore(%run_scoped3A : memref<!tpu.dma_semaphore, #tpu.memory_space<semaphore_mem>>)
      tpu.wait_dma2 semaphore(%run_scoped3A : memref<!tpu.dma_semaphore, #tpu.memory_space<semaphore_mem>>) src(%arg2 : memref<64xi32, #tpu.memory_space<hbm>>) dst(%arg5 : memref<64xi32, #tpu.memory_space<vmem>>)
      tpu.yield
    }) : () -> ()
    %broadcast_in_dim3A = arith.constant 0.000000e+00 : f32
    %broadcast_in_dim3A_3 = vector.broadcast %broadcast_in_dim3A : f32 to vector<16xf32>
    %swap3A = arith.constant 0 : index
    %swap3A_4 = tpu.vector_load %arg4[%swap3A] {strides = array<i32>} : memref<1024xf32, #tpu.memory_space<vmem>>, vector<16xf32>,
    tpu.vector_store %arg4[%swap3A], %broadcast_in_dim3A_3 {strides = array<i32>} : memref<1024xf32, #tpu.memory_space<vmem>>, vector<16xf32>,
    %swap3A_5 = arith.constant 16 : index
    %swap3A_6 = tpu.vector_load %arg4[%swap3A_5] {strides = array<i32>} : memref<1024xf32, #tpu.memory_space<vmem>>, vector<16xf32>,
    tpu.vector_store %arg4[%swap3A_5], %broadcast_in_dim3A_3 {strides = array<i32>} : memref<1024xf32, #tpu.memory_space<vmem>>, vector<16xf32>,
    %swap3A_7 = arith.constant 32 : index
    %swap3A_8 = tpu.vector_load %arg4[%swap3A_7] {strides = array<i32>} : memref<1024xf32, #tpu.memory_space<vmem>>, vector<16xf32>,
    tpu.vector_store %arg4[%swap3A_7], %broadcast_in_dim3A_3 {strides = array<i32>} : memref<1024xf32, #tpu.memory_space<vmem>>, vector<16xf32>,
    %swap3A_9 = arith.constant 48 : index
    %swap3A_10 = tpu.vector_load %arg4[%swap3A_9] {strides = array<i32>} : memref<1024xf32, #tpu.memory_space<vmem>>, vector<16xf32>,
    tpu.vector_store %arg4[%swap3A_9], %broadcast_in_dim3A_3 {strides = array<i32>} : memref<1024xf32, #tpu.memory_space<vmem>>, vector<16xf32>,
    %swap3A_11 = arith.constant 64 : index
    %swap3A_12 = tpu.vector_load %arg4[%swap3A_11] {strides = array<i32>} : memref<1024xf32, #tpu.memory_space<vmem>>, vector<16xf32>,
    tpu.vector_store %arg4[%swap3A_11], %broadcast_in_dim3A_3 {strides = array<i32>} : memref<1024xf32, #tpu.memory_space<vmem>>, vector<16xf32>,
    %swap3A_13 = arith.constant 80 : index
    %swap3A_14 = tpu.vector_load %arg4[%swap3A_13] {strides = array<i32>} : memref<1024xf32, #tpu.memory_space<vmem>>, vector<16xf32>,
    tpu.vector_store %arg4[%swap3A_13], %broadcast_in_dim3A_3 {strides = array<i32>} : memref<1024xf32, #tpu.memory_space<vmem>>, vector<16xf32>,
    %swap3A_15 = arith.constant 96 : index
    %swap3A_16 = tpu.vector_load %arg4[%swap3A_15] {strides = array<i32>} : memref<1024xf32, #tpu.memory_space<vmem>>, vector<16xf32>,
    tpu.vector_store %arg4[%swap3A_15], %broadcast_in_dim3A_3 {strides = array<i32>} : memref<1024xf32, #tpu.memory_space<vmem>>, vector<16xf32>,
    %swap3A_17 = arith.constant 112 : index
    %swap3A_18 = tpu.vector_load %arg4[%swap3A_17] {strides = array<i32>} : memref<1024xf32, #tpu.memory_space<vmem>>, vector<16xf32>,
    tpu.vector_store %arg4[%swap3A_17], %broadcast_in_dim3A_3 {strides = array<i32>} : memref<1024xf32, #tpu.memory_space<vmem>>, vector<16xf32>,
    %swap3A_19 = arith.constant 128 : index
    %swap3A_20 = tpu.vector_load %arg4[%swap3A_19] {strides = array<i32>} : memref<1024xf32, #tpu.memory_space<vmem>>, vector<16xf32>,
    tpu.vector_store %arg4[%swap3A_19], %broadcast_in_dim3A_3 {strides = array<i32>} : memref<1024xf32, #tpu.memory_space<vmem>>, vector<16xf32>,
    %swap3A_21 = arith.constant 144 : index
    %swap3A_22 = tpu.vector_load %arg4[%swap3A_21] {strides = array<i32>} : memref<1024xf32, #tpu.memory_space<vmem>>, vector<16xf32>,
    tpu.vector_store %arg4[%swap3A_21], %broadcast_in_dim3A_3 {strides = array<i32>} : memref<1024xf32, #tpu.memory_space<vmem>>, vector<16xf32>,
    %swap3A_23 = arith.constant 160 : index
    %swap3A_24 = tpu.vector_load %arg4[%swap3A_23] {strides = array<i32>} : memref<1024xf32, #tpu.memory_space<vmem>>, vector<16xf32>,
    tpu.vector_store %arg4[%swap3A_23], %broadcast_in_dim3A_3 {strides = array<i32>} : memref<1024xf32, #tpu.memory_space<vmem>>, vector<16xf32>,
    %swap3A_25 = arith.constant 176 : index
    %swap3A_26 = tpu.vector_load %arg4[%swap3A_25] {strides = array<i32>} : memref<1024xf32, #tpu.memory_space<vmem>>, vector<16xf32>,
    tpu.vector_store %arg4[%swap3A_25], %broadcast_in_dim3A_3 {strides = array<i32>} : memref<1024xf32, #tpu.memory_space<vmem>>, vector<16xf32>,
    %swap3A_27 = arith.constant 192 : index
    %swap3A_28 = tpu.vector_load %arg4[%swap3A_27] {strides = array<i32>} : memref<1024xf32, #tpu.memory_space<vmem>>, vector<16xf32>,
    tpu.vector_store %arg4[%swap3A_27], %broadcast_in_dim3A_3 {strides = array<i32>} : memref<1024xf32, #tpu.memory_space<vmem>>, vector<16xf32>,
    %swap3A_29 = arith.constant 208 : index
    %swap3A_30 = tpu.vector_load %arg4[%swap3A_29] {strides = array<i32>} : memref<1024xf32, #tpu.memory_space<vmem>>, vector<16xf32>,
    tpu.vector_store %arg4[%swap3A_29], %broadcast_in_dim3A_3 {strides = array<i32>} : memref<1024xf32, #tpu.memory_space<vmem>>, vector<16xf32>,
    %swap3A_31 = arith.constant 224 : index
    %swap3A_32 = tpu.vector_load %arg4[%swap3A_31] {strides = array<i32>} : memref<1024xf32, #tpu.memory_space<vmem>>, vector<16xf32>,
    tpu.vector_store %arg4[%swap3A_31], %broadcast_in_dim3A_3 {strides = array<i32>} : memref<1024xf32, #tpu.memory_space<vmem>>, vector<16xf32>,
    %swap3A_33 = arith.constant 240 : index
    %swap3A_34 = tpu.vector_load %arg4[%swap3A_33] {strides = array<i32>} : memref<1024xf32, #tpu.memory_space<vmem>>, vector<16xf32>,
    tpu.vector_store %arg4[%swap3A_33], %broadcast_in_dim3A_3 {strides = array<i32>} : memref<1024xf32, #tpu.memory_space<vmem>>, vector<16xf32>,
    %swap3A_35 = arith.constant 256 : index
    %swap3A_36 = tpu.vector_load %arg4[%swap3A_35] {strides = array<i32>} : memref<1024xf32, #tpu.memory_space<vmem>>, vector<16xf32>,
    tpu.vector_store %arg4[%swap3A_35], %broadcast_in_dim3A_3 {strides = array<i32>} : memref<1024xf32, #tpu.memory_space<vmem>>, vector<16xf32>,
    %swap3A_37 = arith.constant 272 : index
    %swap3A_38 = tpu.vector_load %arg4[%swap3A_37] {strides = array<i32>} : memref<1024xf32, #tpu.memory_space<vmem>>, vector<16xf32>,
    tpu.vector_store %arg4[%swap3A_37], %broadcast_in_dim3A_3 {strides = array<i32>} : memref<1024xf32, #tpu.memory_space<vmem>>, vector<16xf32>,
    %swap3A_39 = arith.constant 288 : index
    %swap3A_40 = tpu.vector_load %arg4[%swap3A_39] {strides = array<i32>} : memref<1024xf32, #tpu.memory_space<vmem>>, vector<16xf32>,
    tpu.vector_store %arg4[%swap3A_39], %broadcast_in_dim3A_3 {strides = array<i32>} : memref<1024xf32, #tpu.memory_space<vmem>>, vector<16xf32>,
    %swap3A_41 = arith.constant 304 : index
    %swap3A_42 = tpu.vector_load %arg4[%swap3A_41] {strides = array<i32>} : memref<1024xf32, #tpu.memory_space<vmem>>, vector<16xf32>,
    tpu.vector_store %arg4[%swap3A_41], %broadcast_in_dim3A_3 {strides = array<i32>} : memref<1024xf32, #tpu.memory_space<vmem>>, vector<16xf32>,
    %swap3A_43 = arith.constant 320 : index
    %swap3A_44 = tpu.vector_load %arg4[%swap3A_43] {strides = array<i32>} : memref<1024xf32, #tpu.memory_space<vmem>>, vector<16xf32>,
    tpu.vector_store %arg4[%swap3A_43], %broadcast_in_dim3A_3 {strides = array<i32>} : memref<1024xf32, #tpu.memory_space<vmem>>, vector<16xf32>,
    %swap3A_45 = arith.constant 336 : index
    %swap3A_46 = tpu.vector_load %arg4[%swap3A_45] {strides = array<i32>} : memref<1024xf32, #tpu.memory_space<vmem>>, vector<16xf32>,
    tpu.vector_store %arg4[%swap3A_45], %broadcast_in_dim3A_3 {strides = array<i32>} : memref<1024xf32, #tpu.memory_space<vmem>>, vector<16xf32>,
    %swap3A_47 = arith.constant 352 : index
    %swap3A_48 = tpu.vector_load %arg4[%swap3A_47] {strides = array<i32>} : memref<1024xf32, #tpu.memory_space<vmem>>, vector<16xf32>,
    tpu.vector_store %arg4[%swap3A_47], %broadcast_in_dim3A_3 {strides = array<i32>} : memref<1024xf32, #tpu.memory_space<vmem>>, vector<16xf32>,
    %swap3A_49 = arith.constant 368 : index
    %swap3A_50 = tpu.vector_load %arg4[%swap3A_49] {strides = array<i32>} : memref<1024xf32, #tpu.memory_space<vmem>>, vector<16xf32>,
    tpu.vector_store %arg4[%swap3A_49], %broadcast_in_dim3A_3 {strides = array<i32>} : memref<1024xf32, #tpu.memory_space<vmem>>, vector<16xf32>,
    %swap3A_51 = arith.constant 384 : index
    %swap3A_52 = tpu.vector_load %arg4[%swap3A_51] {strides = array<i32>} : memref<1024xf32, #tpu.memory_space<vmem>>, vector<16xf32>,
    tpu.vector_store %arg4[%swap3A_51], %broadcast_in_dim3A_3 {strides = array<i32>} : memref<1024xf32, #tpu.memory_space<vmem>>, vector<16xf32>,
    %swap3A_53 = arith.constant 400 : index
    %swap3A_54 = tpu.vector_load %arg4[%swap3A_53] {strides = array<i32>} : memref<1024xf32, #tpu.memory_space<vmem>>, vector<16xf32>,
    tpu.vector_store %arg4[%swap3A_53], %broadcast_in_dim3A_3 {strides = array<i32>} : memref<1024xf32, #tpu.memory_space<vmem>>, vector<16xf32>,
    %swap3A_55 = arith.constant 416 : index
    %swap3A_56 = tpu.vector_load %arg4[%swap3A_55] {strides = array<i32>} : memref<1024xf32, #tpu.memory_space<vmem>>, vector<16xf32>,
    tpu.vector_store %arg4[%swap3A_55], %broadcast_in_dim3A_3 {strides = array<i32>} : memref<1024xf32, #tpu.memory_space<vmem>>, vector<16xf32>,
    %swap3A_57 = arith.constant 432 : index
    %swap3A_58 = tpu.vector_load %arg4[%swap3A_57] {strides = array<i32>} : memref<1024xf32, #tpu.memory_space<vmem>>, vector<16xf32>,
    tpu.vector_store %arg4[%swap3A_57], %broadcast_in_dim3A_3 {strides = array<i32>} : memref<1024xf32, #tpu.memory_space<vmem>>, vector<16xf32>,
    %swap3A_59 = arith.constant 448 : index
    %swap3A_60 = tpu.vector_load %arg4[%swap3A_59] {strides = array<i32>} : memref<1024xf32, #tpu.memory_space<vmem>>, vector<16xf32>,
    tpu.vector_store %arg4[%swap3A_59], %broadcast_in_dim3A_3 {strides = array<i32>} : memref<1024xf32, #tpu.memory_space<vmem>>, vector<16xf32>,
    %swap3A_61 = arith.constant 464 : index
    %swap3A_62 = tpu.vector_load %arg4[%swap3A_61] {strides = array<i32>} : memref<1024xf32, #tpu.memory_space<vmem>>, vector<16xf32>,
    tpu.vector_store %arg4[%swap3A_61], %broadcast_in_dim3A_3 {strides = array<i32>} : memref<1024xf32, #tpu.memory_space<vmem>>, vector<16xf32>,
    %swap3A_63 = arith.constant 480 : index
    %swap3A_64 = tpu.vector_load %arg4[%swap3A_63] {strides = array<i32>} : memref<1024xf32, #tpu.memory_space<vmem>>, vector<16xf32>,
    tpu.vector_store %arg4[%swap3A_63], %broadcast_in_dim3A_3 {strides = array<i32>} : memref<1024xf32, #tpu.memory_space<vmem>>, vector<16xf32>,
    %swap3A_65 = arith.constant 496 : index
    %swap3A_66 = tpu.vector_load %arg4[%swap3A_65] {strides = array<i32>} : memref<1024xf32, #tpu.memory_space<vmem>>, vector<16xf32>,
    tpu.vector_store %arg4[%swap3A_65], %broadcast_in_dim3A_3 {strides = array<i32>} : memref<1024xf32, #tpu.memory_space<vmem>>, vector<16xf32>,
    %swap3A_67 = arith.constant 512 : index
    %swap3A_68 = tpu.vector_load %arg4[%swap3A_67] {strides = array<i32>} : memref<1024xf32, #tpu.memory_space<vmem>>, vector<16xf32>,
    tpu.vector_store %arg4[%swap3A_67], %broadcast_in_dim3A_3 {strides = array<i32>} : memref<1024xf32, #tpu.memory_space<vmem>>, vector<16xf32>,
    %swap3A_69 = arith.constant 528 : index
    %swap3A_70 = tpu.vector_load %arg4[%swap3A_69] {strides = array<i32>} : memref<1024xf32, #tpu.memory_space<vmem>>, vector<16xf32>,
    tpu.vector_store %arg4[%swap3A_69], %broadcast_in_dim3A_3 {strides = array<i32>} : memref<1024xf32, #tpu.memory_space<vmem>>, vector<16xf32>,
    %swap3A_71 = arith.constant 544 : index
    %swap3A_72 = tpu.vector_load %arg4[%swap3A_71] {strides = array<i32>} : memref<1024xf32, #tpu.memory_space<vmem>>, vector<16xf32>,
    tpu.vector_store %arg4[%swap3A_71], %broadcast_in_dim3A_3 {strides = array<i32>} : memref<1024xf32, #tpu.memory_space<vmem>>, vector<16xf32>,
    %swap3A_73 = arith.constant 560 : index
    %swap3A_74 = tpu.vector_load %arg4[%swap3A_73] {strides = array<i32>} : memref<1024xf32, #tpu.memory_space<vmem>>, vector<16xf32>,
    tpu.vector_store %arg4[%swap3A_73], %broadcast_in_dim3A_3 {strides = array<i32>} : memref<1024xf32, #tpu.memory_space<vmem>>, vector<16xf32>,
    %swap3A_75 = arith.constant 576 : index
    %swap3A_76 = tpu.vector_load %arg4[%swap3A_75] {strides = array<i32>} : memref<1024xf32, #tpu.memory_space<vmem>>, vector<16xf32>,
    tpu.vector_store %arg4[%swap3A_75], %broadcast_in_dim3A_3 {strides = array<i32>} : memref<1024xf32, #tpu.memory_space<vmem>>, vector<16xf32>,
    %swap3A_77 = arith.constant 592 : index
    %swap3A_78 = tpu.vector_load %arg4[%swap3A_77] {strides = array<i32>} : memref<1024xf32, #tpu.memory_space<vmem>>, vector<16xf32>,
    tpu.vector_store %arg4[%swap3A_77], %broadcast_in_dim3A_3 {strides = array<i32>} : memref<1024xf32, #tpu.memory_space<vmem>>, vector<16xf32>,
    %swap3A_79 = arith.constant 608 : index
    %swap3A_80 = tpu.vector_load %arg4[%swap3A_79] {strides = array<i32>} : memref<1024xf32, #tpu.memory_space<vmem>>, vector<16xf32>,
    tpu.vector_store %arg4[%swap3A_79], %broadcast_in_dim3A_3 {strides = array<i32>} : memref<1024xf32, #tpu.memory_space<vmem>>, vector<16xf32>,
    %swap3A_81 = arith.constant 624 : index
    %swap3A_82 = tpu.vector_load %arg4[%swap3A_81] {strides = array<i32>} : memref<1024xf32, #tpu.memory_space<vmem>>, vector<16xf32>,
    tpu.vector_store %arg4[%swap3A_81], %broadcast_in_dim3A_3 {strides = array<i32>} : memref<1024xf32, #tpu.memory_space<vmem>>, vector<16xf32>,
    %swap3A_83 = arith.constant 640 : index
    %swap3A_84 = tpu.vector_load %arg4[%swap3A_83] {strides = array<i32>} : memref<1024xf32, #tpu.memory_space<vmem>>, vector<16xf32>,
    tpu.vector_store %arg4[%swap3A_83], %broadcast_in_dim3A_3 {strides = array<i32>} : memref<1024xf32, #tpu.memory_space<vmem>>, vector<16xf32>,
    %swap3A_85 = arith.constant 656 : index
    %swap3A_86 = tpu.vector_load %arg4[%swap3A_85] {strides = array<i32>} : memref<1024xf32, #tpu.memory_space<vmem>>, vector<16xf32>,
    tpu.vector_store %arg4[%swap3A_85], %broadcast_in_dim3A_3 {strides = array<i32>} : memref<1024xf32, #tpu.memory_space<vmem>>, vector<16xf32>,
    %swap3A_87 = arith.constant 672 : index
    %swap3A_88 = tpu.vector_load %arg4[%swap3A_87] {strides = array<i32>} : memref<1024xf32, #tpu.memory_space<vmem>>, vector<16xf32>,
    tpu.vector_store %arg4[%swap3A_87], %broadcast_in_dim3A_3 {strides = array<i32>} : memref<1024xf32, #tpu.memory_space<vmem>>, vector<16xf32>,
    %swap3A_89 = arith.constant 688 : index
    %swap3A_90 = tpu.vector_load %arg4[%swap3A_89] {strides = array<i32>} : memref<1024xf32, #tpu.memory_space<vmem>>, vector<16xf32>,
    tpu.vector_store %arg4[%swap3A_89], %broadcast_in_dim3A_3 {strides = array<i32>} : memref<1024xf32, #tpu.memory_space<vmem>>, vector<16xf32>,
    %swap3A_91 = arith.constant 704 : index
    %swap3A_92 = tpu.vector_load %arg4[%swap3A_91] {strides = array<i32>} : memref<1024xf32, #tpu.memory_space<vmem>>, vector<16xf32>,
    tpu.vector_store %arg4[%swap3A_91], %broadcast_in_dim3A_3 {strides = array<i32>} : memref<1024xf32, #tpu.memory_space<vmem>>, vector<16xf32>,
    %swap3A_93 = arith.constant 720 : index
    %swap3A_94 = tpu.vector_load %arg4[%swap3A_93] {strides = array<i32>} : memref<1024xf32, #tpu.memory_space<vmem>>, vector<16xf32>,
    tpu.vector_store %arg4[%swap3A_93], %broadcast_in_dim3A_3 {strides = array<i32>} : memref<1024xf32, #tpu.memory_space<vmem>>, vector<16xf32>,
    %swap3A_95 = arith.constant 736 : index
    %swap3A_96 = tpu.vector_load %arg4[%swap3A_95] {strides = array<i32>} : memref<1024xf32, #tpu.memory_space<vmem>>, vector<16xf32>,
    tpu.vector_store %arg4[%swap3A_95], %broadcast_in_dim3A_3 {strides = array<i32>} : memref<1024xf32, #tpu.memory_space<vmem>>, vector<16xf32>,
    %swap3A_97 = arith.constant 752 : index
    %swap3A_98 = tpu.vector_load %arg4[%swap3A_97] {strides = array<i32>} : memref<1024xf32, #tpu.memory_space<vmem>>, vector<16xf32>,
    tpu.vector_store %arg4[%swap3A_97], %broadcast_in_dim3A_3 {strides = array<i32>} : memref<1024xf32, #tpu.memory_space<vmem>>, vector<16xf32>,
    %swap3A_99 = arith.constant 768 : index
    %swap3A_100 = tpu.vector_load %arg4[%swap3A_99] {strides = array<i32>} : memref<1024xf32, #tpu.memory_space<vmem>>, vector<16xf32>,
    tpu.vector_store %arg4[%swap3A_99], %broadcast_in_dim3A_3 {strides = array<i32>} : memref<1024xf32, #tpu.memory_space<vmem>>, vector<16xf32>,
    %swap3A_101 = arith.constant 784 : index
    %swap3A_102 = tpu.vector_load %arg4[%swap3A_101] {strides = array<i32>} : memref<1024xf32, #tpu.memory_space<vmem>>, vector<16xf32>,
    tpu.vector_store %arg4[%swap3A_101], %broadcast_in_dim3A_3 {strides = array<i32>} : memref<1024xf32, #tpu.memory_space<vmem>>, vector<16xf32>,
    %swap3A_103 = arith.constant 800 : index
    %swap3A_104 = tpu.vector_load %arg4[%swap3A_103] {strides = array<i32>} : memref<1024xf32, #tpu.memory_space<vmem>>, vector<16xf32>,
    tpu.vector_store %arg4[%swap3A_103], %broadcast_in_dim3A_3 {strides = array<i32>} : memref<1024xf32, #tpu.memory_space<vmem>>, vector<16xf32>,
    %swap3A_105 = arith.constant 816 : index
    %swap3A_106 = tpu.vector_load %arg4[%swap3A_105] {strides = array<i32>} : memref<1024xf32, #tpu.memory_space<vmem>>, vector<16xf32>,
    tpu.vector_store %arg4[%swap3A_105], %broadcast_in_dim3A_3 {strides = array<i32>} : memref<1024xf32, #tpu.memory_space<vmem>>, vector<16xf32>,
    %swap3A_107 = arith.constant 832 : index
    %swap3A_108 = tpu.vector_load %arg4[%swap3A_107] {strides = array<i32>} : memref<1024xf32, #tpu.memory_space<vmem>>, vector<16xf32>,
    tpu.vector_store %arg4[%swap3A_107], %broadcast_in_dim3A_3 {strides = array<i32>} : memref<1024xf32, #tpu.memory_space<vmem>>, vector<16xf32>,
    %swap3A_109 = arith.constant 848 : index
    %swap3A_110 = tpu.vector_load %arg4[%swap3A_109] {strides = array<i32>} : memref<1024xf32, #tpu.memory_space<vmem>>, vector<16xf32>,
    tpu.vector_store %arg4[%swap3A_109], %broadcast_in_dim3A_3 {strides = array<i32>} : memref<1024xf32, #tpu.memory_space<vmem>>, vector<16xf32>,
    %swap3A_111 = arith.constant 864 : index
    %swap3A_112 = tpu.vector_load %arg4[%swap3A_111] {strides = array<i32>} : memref<1024xf32, #tpu.memory_space<vmem>>, vector<16xf32>,
    tpu.vector_store %arg4[%swap3A_111], %broadcast_in_dim3A_3 {strides = array<i32>} : memref<1024xf32, #tpu.memory_space<vmem>>, vector<16xf32>,
    %swap3A_113 = arith.constant 880 : index
    %swap3A_114 = tpu.vector_load %arg4[%swap3A_113] {strides = array<i32>} : memref<1024xf32, #tpu.memory_space<vmem>>, vector<16xf32>,
    tpu.vector_store %arg4[%swap3A_113], %broadcast_in_dim3A_3 {strides = array<i32>} : memref<1024xf32, #tpu.memory_space<vmem>>, vector<16xf32>,
    %swap3A_115 = arith.constant 896 : index
    %swap3A_116 = tpu.vector_load %arg4[%swap3A_115] {strides = array<i32>} : memref<1024xf32, #tpu.memory_space<vmem>>, vector<16xf32>,
    tpu.vector_store %arg4[%swap3A_115], %broadcast_in_dim3A_3 {strides = array<i32>} : memref<1024xf32, #tpu.memory_space<vmem>>, vector<16xf32>,
    %swap3A_117 = arith.constant 912 : index
    %swap3A_118 = tpu.vector_load %arg4[%swap3A_117] {strides = array<i32>} : memref<1024xf32, #tpu.memory_space<vmem>>, vector<16xf32>,
    tpu.vector_store %arg4[%swap3A_117], %broadcast_in_dim3A_3 {strides = array<i32>} : memref<1024xf32, #tpu.memory_space<vmem>>, vector<16xf32>,
    %swap3A_119 = arith.constant 928 : index
    %swap3A_120 = tpu.vector_load %arg4[%swap3A_119] {strides = array<i32>} : memref<1024xf32, #tpu.memory_space<vmem>>, vector<16xf32>,
    tpu.vector_store %arg4[%swap3A_119], %broadcast_in_dim3A_3 {strides = array<i32>} : memref<1024xf32, #tpu.memory_space<vmem>>, vector<16xf32>,
    %swap3A_121 = arith.constant 944 : index
    %swap3A_122 = tpu.vector_load %arg4[%swap3A_121] {strides = array<i32>} : memref<1024xf32, #tpu.memory_space<vmem>>, vector<16xf32>,
    tpu.vector_store %arg4[%swap3A_121], %broadcast_in_dim3A_3 {strides = array<i32>} : memref<1024xf32, #tpu.memory_space<vmem>>, vector<16xf32>,
    %swap3A_123 = arith.constant 960 : index
    %swap3A_124 = tpu.vector_load %arg4[%swap3A_123] {strides = array<i32>} : memref<1024xf32, #tpu.memory_space<vmem>>, vector<16xf32>,
    tpu.vector_store %arg4[%swap3A_123], %broadcast_in_dim3A_3 {strides = array<i32>} : memref<1024xf32, #tpu.memory_space<vmem>>, vector<16xf32>,
    %swap3A_125 = arith.constant 976 : index
    %swap3A_126 = tpu.vector_load %arg4[%swap3A_125] {strides = array<i32>} : memref<1024xf32, #tpu.memory_space<vmem>>, vector<16xf32>,
    tpu.vector_store %arg4[%swap3A_125], %broadcast_in_dim3A_3 {strides = array<i32>} : memref<1024xf32, #tpu.memory_space<vmem>>, vector<16xf32>,
    %swap3A_127 = arith.constant 992 : index
    %swap3A_128 = tpu.vector_load %arg4[%swap3A_127] {strides = array<i32>} : memref<1024xf32, #tpu.memory_space<vmem>>, vector<16xf32>,
    tpu.vector_store %arg4[%swap3A_127], %broadcast_in_dim3A_3 {strides = array<i32>} : memref<1024xf32, #tpu.memory_space<vmem>>, vector<16xf32>,
    %swap3A_129 = arith.constant 1008 : index
    %swap3A_130 = tpu.vector_load %arg4[%swap3A_129] {strides = array<i32>} : memref<1024xf32, #tpu.memory_space<vmem>>, vector<16xf32>,
    tpu.vector_store %arg4[%swap3A_129], %broadcast_in_dim3A_3 {strides = array<i32>} : memref<1024xf32, #tpu.memory_space<vmem>>, vector<16xf32>,
    %broadcast_in_dim3A_131 = arith.constant 1.000000e+00 : f32
    %broadcast_in_dim3A_132 = vector.broadcast %broadcast_in_dim3A_131 : f32 to vector<16xf32>
    %get3A = arith.constant 0 : index
    %get3A_133 = tpu.vector_load %arg5[%get3A] {strides = array<i32>} : memref<64xi32, #tpu.memory_space<vmem>>, vector<16xi32>,
    %sub3A = vector.broadcast %mul3A_2 : i32 to vector<16xi32>
    %sub3A_134 = arith.subi %get3A_133, %sub3A : vector<16xi32>
    %ge3A = arith.constant 0 : i32
    %ge3A_135 = vector.broadcast %ge3A : i32 to vector<16xi32>
    %ge3A_136 = arith.cmpi sge, %sub3A_134, %ge3A_135 : vector<16xi32>
    %lt3A = arith.constant 1024 : i32
    %lt3A_137 = vector.broadcast %lt3A : i32 to vector<16xi32>
    %lt3A_138 = arith.cmpi slt, %sub3A_134, %lt3A_137 : vector<16xi32>
    %and3A = arith.andi %ge3A_136, %lt3A_138 : vector<16xi1>
    tpu.vector_store_idx %arg4[%sub3A_134], %broadcast_in_dim3A_132 masked %and3A : memref<1024xf32, #tpu.memory_space<vmem>>[vector<16xi32>], vector<16xf32>, vector<16xi1>
    %get3A_139 = arith.constant 16 : index
    %get3A_140 = tpu.vector_load %arg5[%get3A_139] {strides = array<i32>} : memref<64xi32, #tpu.memory_space<vmem>>, vector<16xi32>,
    %sub3A_141 = vector.broadcast %mul3A_2 : i32 to vector<16xi32>
    %sub3A_142 = arith.subi %get3A_140, %sub3A_141 : vector<16xi32>
    %ge3A_143 = arith.constant 0 : i32
    %ge3A_144 = vector.broadcast %ge3A_143 : i32 to vector<16xi32>
    %ge3A_145 = arith.cmpi sge, %sub3A_142, %ge3A_144 : vector<16xi32>
    %lt3A_146 = arith.constant 1024 : i32
    %lt3A_147 = vector.broadcast %lt3A_146 : i32 to vector<16xi32>
    %lt3A_148 = arith.cmpi slt, %sub3A_142, %lt3A_147 : vector<16xi32>
    %and3A_149 = arith.andi %ge3A_145, %lt3A_148 : vector<16xi1>
    tpu.vector_store_idx %arg4[%sub3A_142], %broadcast_in_dim3A_132 masked %and3A_149 : memref<1024xf32, #tpu.memory_space<vmem>>[vector<16xi32>], vector<16xf32>, vector<16xi1>
    %get3A_150 = arith.constant 32 : index
    %get3A_151 = tpu.vector_load %arg5[%get3A_150] {strides = array<i32>} : memref<64xi32, #tpu.memory_space<vmem>>, vector<16xi32>,
    %sub3A_152 = vector.broadcast %mul3A_2 : i32 to vector<16xi32>
    %sub3A_153 = arith.subi %get3A_151, %sub3A_152 : vector<16xi32>
    %ge3A_154 = arith.constant 0 : i32
    %ge3A_155 = vector.broadcast %ge3A_154 : i32 to vector<16xi32>
    %ge3A_156 = arith.cmpi sge, %sub3A_153, %ge3A_155 : vector<16xi32>
    %lt3A_157 = arith.constant 1024 : i32
    %lt3A_158 = vector.broadcast %lt3A_157 : i32 to vector<16xi32>
    %lt3A_159 = arith.cmpi slt, %sub3A_153, %lt3A_158 : vector<16xi32>
    %and3A_160 = arith.andi %ge3A_156, %lt3A_159 : vector<16xi1>
    tpu.vector_store_idx %arg4[%sub3A_153], %broadcast_in_dim3A_132 masked %and3A_160 : memref<1024xf32, #tpu.memory_space<vmem>>[vector<16xi32>], vector<16xf32>, vector<16xi1>
    %get3A_161 = arith.constant 48 : index
    %get3A_162 = tpu.vector_load %arg5[%get3A_161] {strides = array<i32>} : memref<64xi32, #tpu.memory_space<vmem>>, vector<16xi32>,
    %sub3A_163 = vector.broadcast %mul3A_2 : i32 to vector<16xi32>
    %sub3A_164 = arith.subi %get3A_162, %sub3A_163 : vector<16xi32>
    %ge3A_165 = arith.constant 0 : i32
    %ge3A_166 = vector.broadcast %ge3A_165 : i32 to vector<16xi32>
    %ge3A_167 = arith.cmpi sge, %sub3A_164, %ge3A_166 : vector<16xi32>
    %lt3A_168 = arith.constant 1024 : i32
    %lt3A_169 = vector.broadcast %lt3A_168 : i32 to vector<16xi32>
    %lt3A_170 = arith.cmpi slt, %sub3A_164, %lt3A_169 : vector<16xi32>
    %and3A_171 = arith.andi %ge3A_167, %lt3A_170 : vector<16xi1>
    tpu.vector_store_idx %arg4[%sub3A_164], %broadcast_in_dim3A_132 masked %and3A_171 : memref<1024xf32, #tpu.memory_space<vmem>>[vector<16xi32>], vector<16xf32>, vector<16xi1>
    "tpu.region"() ({
      %run_scoped3A = tpu.sem_alloc : memref<!tpu.dma_semaphore, #tpu.memory_space<semaphore_mem>>
      %dma_start3A = tpu.memref_slice %arg3[%mul3A_2] : memref<32768xf32, #tpu.memory_space<hbm>> -> memref<1024xf32, #tpu.memory_space<hbm>>
      %dma_start3A_172 = tpu.memref_slice %arg3[%mul3A_2] : memref<32768xf32, #tpu.memory_space<hbm>> -> memref<1024xf32, #tpu.memory_space<hbm>>
      tpu.enqueue_dma source(%arg4 : memref<1024xf32, #tpu.memory_space<vmem>>) target(%dma_start3A_172 : memref<1024xf32, #tpu.memory_space<hbm>>) target_semaphore(%run_scoped3A : memref<!tpu.dma_semaphore, #tpu.memory_space<semaphore_mem>>)
      %dma_wait3A = tpu.memref_slice %arg3[%mul3A_2] : memref<32768xf32, #tpu.memory_space<hbm>> -> memref<1024xf32, #tpu.memory_space<hbm>>
      %dma_wait3A_173 = tpu.memref_slice %arg3[%mul3A_2] : memref<32768xf32, #tpu.memory_space<hbm>> -> memref<1024xf32, #tpu.memory_space<hbm>>
      tpu.wait_dma2 semaphore(%run_scoped3A : memref<!tpu.dma_semaphore, #tpu.memory_space<semaphore_mem>>) src(%arg4 : memref<1024xf32, #tpu.memory_space<vmem>>) dst(%dma_wait3A_173 : memref<1024xf32, #tpu.memory_space<hbm>>)
      tpu.yield
    }) : () -> ()
    return
  }
}

module attributes {stable_mosaic.version = 14 : i64} {
  func.func @_encoder_body(%arg0: i32, %arg1: memref<1x8192x128xf32, #tpu.memory_space<vmem>>, %arg2: memref<128x64xf32, #tpu.memory_space<vmem>>, %arg3: memref<1x64xf32, #tpu.memory_space<vmem>>, %arg4: memref<1x64xf32, #tpu.memory_space<vmem>>, %arg5: memref<1x1xf32, #tpu.memory_space<vmem>>, %arg6: memref<131x16xf32, #tpu.memory_space<vmem>>, %arg7: memref<1x16xf32, #tpu.memory_space<vmem>>, %arg8: memref<16x1024xf32, #tpu.memory_space<vmem>>, %arg9: memref<1x1024xf32, #tpu.memory_space<vmem>>, %arg10: memref<1x131xf32, #tpu.memory_space<vmem>>, %arg11: memref<1x131xf32, #tpu.memory_space<vmem>>, %arg12: memref<1x16x1xi32, #tpu.memory_space<vmem>>, %arg13: memref<1x1x16xi32, #tpu.memory_space<smem>>, %arg14: memref<1x16x1024xf32, #tpu.memory_space<vmem>>) attributes {dimension_semantics = [#tpu.dimension_semantics<arbitrary>], iteration_bounds = array<i64: 4>, scalar_prefetch = 0 : i64, scratch_operands = 0 : i64, tpu.core_type = #tpu.core_type<tc>, window_params = [{transform_indices = @transform_0, window_bounds = array<i64: 1, 8192, 128>}, {pipeline_mode = #tpu.pipeline_mode<synchronous>, transform_indices = @transform_1, window_bounds = array<i64: 128, 64>}, {pipeline_mode = #tpu.pipeline_mode<synchronous>, transform_indices = @transform_2, window_bounds = array<i64: 1, 64>}, {pipeline_mode = #tpu.pipeline_mode<synchronous>, transform_indices = @transform_3, window_bounds = array<i64: 1, 64>}, {pipeline_mode = #tpu.pipeline_mode<synchronous>, transform_indices = @transform_4, window_bounds = array<i64: 1, 1>}, {pipeline_mode = #tpu.pipeline_mode<synchronous>, transform_indices = @transform_5, window_bounds = array<i64: 131, 16>}, {pipeline_mode = #tpu.pipeline_mode<synchronous>, transform_indices = @transform_6, window_bounds = array<i64: 1, 16>}, {pipeline_mode = #tpu.pipeline_mode<synchronous>, transform_indices = @transform_7, window_bounds = array<i64: 16, 1024>}, {pipeline_mode = #tpu.pipeline_mode<synchronous>, transform_indices = @transform_8, window_bounds = array<i64: 1, 1024>}, {pipeline_mode = #tpu.pipeline_mode<synchronous>, transform_indices = @transform_9, window_bounds = array<i64: 1, 131>}, {pipeline_mode = #tpu.pipeline_mode<synchronous>, transform_indices = @transform_10, window_bounds = array<i64: 1, 131>}, {transform_indices = @transform_11, window_bounds = array<i64: 1, 16, 1>}, {transform_indices = @transform_12, window_bounds = array<i64: 1, 1, 16>}, {transform_indices = @transform_13, window_bounds = array<i64: 1, 16, 1024>}]} {
    %get3A = arith.constant 0 : index
    %get3A_0 = arith.constant 0 : index
    %get3A_1 = arith.constant 0 : index
    %get3A_2 = vector.load %arg1[%get3A, %get3A_0, %get3A_1] : memref<1x8192x128xf32, #tpu.memory_space<vmem>>, vector<1x8192x128xf32>
    %get3A_3 = vector.shape_cast %get3A_2 : vector<1x8192x128xf32> to vector<8192x128xf32>
    %get3A_4 = arith.constant 0 : index
    %get3A_5 = arith.constant 0 : index
    %get3A_6 = vector.load %arg2[%get3A_4, %get3A_5] : memref<128x64xf32, #tpu.memory_space<vmem>>, vector<128x64xf32>
    %convert_element_type3A = arith.truncf %get3A_3 : vector<8192x128xf32> to vector<8192x128xbf16>
    %convert_element_type3A_7 = arith.truncf %get3A_6 : vector<128x64xf32> to vector<128x64xbf16>
    %dot_general3A = arith.constant dense<0.000000e+00> : vector<8192x64xf32>
    %dot_general3A_8 = tpu.matmul %convert_element_type3A, %convert_element_type3A_7, %dot_general3A {dimension_numbers = #tpu.dot_dimension_numbers<[1], [0], [0], [1], [0, 0, 1, 1], [], []>, transpose_lhs_hint = false} : vector<8192x128xbf16>, vector<128x64xbf16>, vector<8192x64xf32> -> vector<8192x64xf32>
    %get3A_9 = arith.constant 0 : index
    %get3A_10 = arith.constant 0 : index
    %get3A_11 = vector.load %arg3[%get3A_9, %get3A_10] : memref<1x64xf32, #tpu.memory_space<vmem>>, vector<1x64xf32>
    %add3A = vector.broadcast %get3A_11 : vector<1x64xf32> to vector<8192x64xf32>
    %add3A_12 = arith.addf %dot_general3A_8, %add3A : vector<8192x64xf32>
    %tanh3A = math.tanh %add3A_12 : vector<8192x64xf32>
    %get3A_13 = arith.constant 0 : index
    %get3A_14 = arith.constant 0 : index
    %get3A_15 = vector.load %arg4[%get3A_13, %get3A_14] : memref<1x64xf32, #tpu.memory_space<vmem>>, vector<1x64xf32>
    %transpose3A = tpu.transpose %tanh3A, [1, 0] : vector<8192x64xf32> -> vector<64x8192xf32>
    %convert_element_type3A_16 = arith.truncf %get3A_15 : vector<1x64xf32> to vector<1x64xbf16>
    %convert_element_type3A_17 = arith.truncf %transpose3A : vector<64x8192xf32> to vector<64x8192xbf16>
    %dot_general3A_18 = arith.constant dense<0.000000e+00> : vector<1x8192xf32>
    %dot_general3A_19 = tpu.matmul %convert_element_type3A_16, %convert_element_type3A_17, %dot_general3A_18 {dimension_numbers = #tpu.dot_dimension_numbers<[1], [0], [0], [1], [0, 0, 1, 1], [], []>, transpose_lhs_hint = false} : vector<1x64xbf16>, vector<64x8192xbf16>, vector<1x8192xf32> -> vector<1x8192xf32>
    %get3A_20 = arith.constant 0 : index
    %get3A_21 = arith.constant 0 : index
    %get3A_22 = vector.load %arg5[%get3A_20, %get3A_21] : memref<1x1xf32, #tpu.memory_space<vmem>>, vector<1x1xf32>
    %add3A_23 = vector.broadcast %get3A_22 : vector<1x1xf32> to vector<1x8192xf32>
    %add3A_24 = arith.addf %dot_general3A_19, %add3A_23 : vector<1x8192xf32>
    %reshape3A = vector.shape_cast %add3A_24 : vector<1x8192xf32> to vector<64x128xf32>
    %logistic3A = arith.negf %reshape3A : vector<64x128xf32>
    %logistic3A_25 = math.exp %logistic3A : vector<64x128xf32>
    %logistic3A_26 = arith.constant 1.000000e+00 : f32
    %logistic3A_27 = vector.broadcast %logistic3A_26 : f32 to vector<64x128xf32>
    %logistic3A_28 = arith.addf %logistic3A_27, %logistic3A_25 : vector<64x128xf32>
    %logistic3A_29 = arith.divf %logistic3A_27, %logistic3A_28 : vector<64x128xf32>
    %iota3A = tpu.iota {dimensions = array<i32: 0>} : vector<128x128xi32>
    %iota3A_30 = tpu.iota {dimensions = array<i32: 1>} : vector<128x128xi32>
    %le3A = arith.cmpi sle, %iota3A, %iota3A_30 : vector<128x128xi32>
    %convert_element_type3A_31 = arith.extui %le3A : vector<128x128xi1> to vector<128x128xi32>
    %convert_element_type3A_32 = arith.sitofp %convert_element_type3A_31 : vector<128x128xi32> to vector<128x128xf32>
    %iota3A_33 = tpu.iota {dimensions = array<i32: 0>} : vector<64x64xi32>
    %iota3A_34 = tpu.iota {dimensions = array<i32: 1>} : vector<64x64xi32>
    %lt3A = arith.cmpi slt, %iota3A_34, %iota3A_33 : vector<64x64xi32>
    %convert_element_type3A_35 = arith.extui %lt3A : vector<64x64xi1> to vector<64x64xi32>
    %convert_element_type3A_36 = arith.sitofp %convert_element_type3A_35 : vector<64x64xi32> to vector<64x64xf32>
    %convert_element_type3A_37 = arith.truncf %logistic3A_29 : vector<64x128xf32> to vector<64x128xbf16>
    %convert_element_type3A_38 = arith.truncf %convert_element_type3A_32 : vector<128x128xf32> to vector<128x128xbf16>
    %dot_general3A_39 = arith.constant dense<0.000000e+00> : vector<64x128xf32>
    %dot_general3A_40 = tpu.matmul %convert_element_type3A_37, %convert_element_type3A_38, %dot_general3A_39 {dimension_numbers = #tpu.dot_dimension_numbers<[1], [0], [0], [1], [0, 0, 1, 1], [], []>, transpose_lhs_hint = false} : vector<64x128xbf16>, vector<128x128xbf16>, vector<64x128xf32> -> vector<64x128xf32>
    %reduce_sum3A = arith.constant dense<0.000000e+00> : vector<64xf32>
    %reduce_sum3A_41 = vector.multi_reduction <add>, %logistic3A_29, %reduce_sum3A [1] : vector<64x128xf32> to vector<64xf32>
    %broadcast_in_dim3A = vector.shape_cast %reduce_sum3A_41 : vector<64xf32> to vector<64x1xf32>
    %dot_general3A_42 = arith.constant dense<0.000000e+00> : vector<64x1xf32>
    %dot_general3A_43 = tpu.matmul %convert_element_type3A_36, %broadcast_in_dim3A, %dot_general3A_42 {dimension_numbers = #tpu.dot_dimension_numbers<[1], [0], [0], [1], [0, 0, 1, 1], [], []>, precision = #tpu.contract_precision<fp32>, transpose_lhs_hint = false} : vector<64x64xf32>, vector<64x1xf32>, vector<64x1xf32> -> vector<64x1xf32>
    %add3A_44 = vector.broadcast %dot_general3A_43 : vector<64x1xf32> to vector<64x128xf32>
    %add3A_45 = arith.addf %dot_general3A_40, %add3A_44 : vector<64x128xf32>
    %iota3A_46 = tpu.iota {dimensions = array<i32: 0>} : vector<64x128xi32>
    %iota3A_47 = tpu.iota {dimensions = array<i32: 1>} : vector<64x128xi32>
    %mul3A = arith.constant 128 : i32
    %mul3A_48 = vector.broadcast %mul3A : i32 to vector<64x128xi32>
    %mul3A_49 = arith.muli %iota3A_46, %mul3A_48 : vector<64x128xi32>
    %add3A_50 = arith.addi %mul3A_49, %iota3A_47 : vector<64x128xi32>
    %convert_element_type3A_51 = arith.sitofp %add3A_50 : vector<64x128xi32> to vector<64x128xf32>
    %add3A_52 = arith.constant 1.000000e+00 : f32
    %add3A_53 = vector.broadcast %add3A_52 : f32 to vector<64x128xf32>
    %add3A_54 = arith.addf %convert_element_type3A_51, %add3A_53 : vector<64x128xf32>
    %div3A = arith.divf %add3A_45, %add3A_54 : vector<64x128xf32>
    %broadcast_in_dim3A_55 = arith.constant 1.000000e+00 : bf16
    %broadcast_in_dim3A_56 = vector.broadcast %broadcast_in_dim3A_55 : bf16 to vector<1x8192xbf16>
    %convert_element_type3A_57 = arith.truncf %get3A_3 : vector<8192x128xf32> to vector<8192x128xbf16>
    %dot_general3A_58 = arith.constant dense<0.000000e+00> : vector<1x128xf32>
    %dot_general3A_59 = tpu.matmul %broadcast_in_dim3A_56, %convert_element_type3A_57, %dot_general3A_58 {dimension_numbers = #tpu.dot_dimension_numbers<[1], [0], [0], [1], [0, 0, 1, 1], [], []>, transpose_lhs_hint = false} : vector<1x8192xbf16>, vector<8192x128xbf16>, vector<1x128xf32> -> vector<1x128xf32>
    %mul3A_60 = arith.constant 1.22070313E-4 : f32
    %mul3A_61 = vector.broadcast %mul3A_60 : f32 to vector<1x128xf32>
    %mul3A_62 = arith.mulf %dot_general3A_59, %mul3A_61 : vector<1x128xf32>
    %reduce_sum3A_63 = vector.shape_cast %logistic3A_29 : vector<64x128xf32> to vector<1x64x128xf32>
    %reduce_sum3A_64 = arith.constant dense<0.000000e+00> : vector<1xf32>
    %reduce_sum3A_65 = vector.multi_reduction <add>, %reduce_sum3A_63, %reduce_sum3A_64 [1, 2] : vector<1x64x128xf32> to vector<1xf32>
    %reduce_sum3A_66 = vector.shape_cast %reduce_sum3A_65 : vector<1xf32> to vector<1x1x1xf32>
    %reduce_sum3A_67 = vector.extract %reduce_sum3A_66[0, 0, 0] : f32 from vector<1x1x1xf32>
    %broadcast_in_dim3A_68 = vector.broadcast %reduce_sum3A_67 : f32 to vector<1x1xf32>
    %mul3A_69 = arith.constant 1.22070313E-4 : f32
    %mul3A_70 = vector.broadcast %mul3A_69 : f32 to vector<1x1xf32>
    %mul3A_71 = arith.mulf %broadcast_in_dim3A_68, %mul3A_70 : vector<1x1xf32>
    %reduce_sum3A_72 = vector.shape_cast %div3A : vector<64x128xf32> to vector<1x64x128xf32>
    %reduce_sum3A_73 = arith.constant dense<0.000000e+00> : vector<1xf32>
    %reduce_sum3A_74 = vector.multi_reduction <add>, %reduce_sum3A_72, %reduce_sum3A_73 [1, 2] : vector<1x64x128xf32> to vector<1xf32>
    %reduce_sum3A_75 = vector.shape_cast %reduce_sum3A_74 : vector<1xf32> to vector<1x1x1xf32>
    %reduce_sum3A_76 = vector.extract %reduce_sum3A_75[0, 0, 0] : f32 from vector<1x1x1xf32>
    %broadcast_in_dim3A_77 = vector.broadcast %reduce_sum3A_76 : f32 to vector<1x1xf32>
    %mul3A_78 = arith.constant 1.22070313E-4 : f32
    %mul3A_79 = vector.broadcast %mul3A_78 : f32 to vector<1x1xf32>
    %mul3A_80 = arith.mulf %broadcast_in_dim3A_77, %mul3A_79 : vector<1x1xf32>
    %broadcast_in_dim3A_81 = arith.constant 0.499938965 : f32
    %broadcast_in_dim3A_82 = vector.broadcast %broadcast_in_dim3A_81 : f32 to vector<1x1xf32>
    %concatenate3A = tpu.concatenate %mul3A_62, %mul3A_71, %broadcast_in_dim3A_82, %mul3A_80 in 1 : vector<1x128xf32>, vector<1x1xf32>, vector<1x1xf32>, vector<1x1xf32> -> vector<1x131xf32>
    %get3A_83 = arith.constant 0 : index
    %get3A_84 = arith.constant 0 : index
    %get3A_85 = arith.constant 0 : index
    %get3A_86 = memref.load %arg13[%get3A_83, %get3A_84, %get3A_85] : memref<1x1x16xi32, #tpu.memory_space<smem>>
    %get3A_87 = arith.constant 0 : index
    %get3A_88 = arith.index_cast %get3A_86 : i32 to index
    %get3A_89 = arith.constant 0 : index
    %get3A_90 = vector.load %arg1[%get3A_87, %get3A_88, %get3A_89] : memref<1x8192x128xf32, #tpu.memory_space<vmem>>, vector<1x1x128xf32>
    %get3A_91 = vector.shape_cast %get3A_90 : vector<1x1x128xf32> to vector<1x128xf32>
    %get3A_92 = arith.constant 0 : index
    %get3A_93 = arith.constant 0 : index
    %get3A_94 = arith.constant 1 : index
    %get3A_95 = memref.load %arg13[%get3A_92, %get3A_93, %get3A_94] : memref<1x1x16xi32, #tpu.memory_space<smem>>
    %get3A_96 = arith.constant 0 : index
    %get3A_97 = arith.index_cast %get3A_95 : i32 to index
    %get3A_98 = arith.constant 0 : index
    %get3A_99 = vector.load %arg1[%get3A_96, %get3A_97, %get3A_98] : memref<1x8192x128xf32, #tpu.memory_space<vmem>>, vector<1x1x128xf32>
    %get3A_100 = vector.shape_cast %get3A_99 : vector<1x1x128xf32> to vector<1x128xf32>
    %get3A_101 = arith.constant 0 : index
    %get3A_102 = arith.constant 0 : index
    %get3A_103 = arith.constant 2 : index
    %get3A_104 = memref.load %arg13[%get3A_101, %get3A_102, %get3A_103] : memref<1x1x16xi32, #tpu.memory_space<smem>>
    %get3A_105 = arith.constant 0 : index
    %get3A_106 = arith.index_cast %get3A_104 : i32 to index
    %get3A_107 = arith.constant 0 : index
    %get3A_108 = vector.load %arg1[%get3A_105, %get3A_106, %get3A_107] : memref<1x8192x128xf32, #tpu.memory_space<vmem>>, vector<1x1x128xf32>
    %get3A_109 = vector.shape_cast %get3A_108 : vector<1x1x128xf32> to vector<1x128xf32>
    %get3A_110 = arith.constant 0 : index
    %get3A_111 = arith.constant 0 : index
    %get3A_112 = arith.constant 3 : index
    %get3A_113 = memref.load %arg13[%get3A_110, %get3A_111, %get3A_112] : memref<1x1x16xi32, #tpu.memory_space<smem>>
    %get3A_114 = arith.constant 0 : index
    %get3A_115 = arith.index_cast %get3A_113 : i32 to index
    %get3A_116 = arith.constant 0 : index
    %get3A_117 = vector.load %arg1[%get3A_114, %get3A_115, %get3A_116] : memref<1x8192x128xf32, #tpu.memory_space<vmem>>, vector<1x1x128xf32>
    %get3A_118 = vector.shape_cast %get3A_117 : vector<1x1x128xf32> to vector<1x128xf32>
    %get3A_119 = arith.constant 0 : index
    %get3A_120 = arith.constant 0 : index
    %get3A_121 = arith.constant 4 : index
    %get3A_122 = memref.load %arg13[%get3A_119, %get3A_120, %get3A_121] : memref<1x1x16xi32, #tpu.memory_space<smem>>
    %get3A_123 = arith.constant 0 : index
    %get3A_124 = arith.index_cast %get3A_122 : i32 to index
    %get3A_125 = arith.constant 0 : index
    %get3A_126 = vector.load %arg1[%get3A_123, %get3A_124, %get3A_125] : memref<1x8192x128xf32, #tpu.memory_space<vmem>>, vector<1x1x128xf32>
    %get3A_127 = vector.shape_cast %get3A_126 : vector<1x1x128xf32> to vector<1x128xf32>
    %get3A_128 = arith.constant 0 : index
    %get3A_129 = arith.constant 0 : index
    %get3A_130 = arith.constant 5 : index
    %get3A_131 = memref.load %arg13[%get3A_128, %get3A_129, %get3A_130] : memref<1x1x16xi32, #tpu.memory_space<smem>>
    %get3A_132 = arith.constant 0 : index
    %get3A_133 = arith.index_cast %get3A_131 : i32 to index
    %get3A_134 = arith.constant 0 : index
    %get3A_135 = vector.load %arg1[%get3A_132, %get3A_133, %get3A_134] : memref<1x8192x128xf32, #tpu.memory_space<vmem>>, vector<1x1x128xf32>
    %get3A_136 = vector.shape_cast %get3A_135 : vector<1x1x128xf32> to vector<1x128xf32>
    %get3A_137 = arith.constant 0 : index
    %get3A_138 = arith.constant 0 : index
    %get3A_139 = arith.constant 6 : index
    %get3A_140 = memref.load %arg13[%get3A_137, %get3A_138, %get3A_139] : memref<1x1x16xi32, #tpu.memory_space<smem>>
    %get3A_141 = arith.constant 0 : index
    %get3A_142 = arith.index_cast %get3A_140 : i32 to index
    %get3A_143 = arith.constant 0 : index
    %get3A_144 = vector.load %arg1[%get3A_141, %get3A_142, %get3A_143] : memref<1x8192x128xf32, #tpu.memory_space<vmem>>, vector<1x1x128xf32>
    %get3A_145 = vector.shape_cast %get3A_144 : vector<1x1x128xf32> to vector<1x128xf32>
    %get3A_146 = arith.constant 0 : index
    %get3A_147 = arith.constant 0 : index
    %get3A_148 = arith.constant 7 : index
    %get3A_149 = memref.load %arg13[%get3A_146, %get3A_147, %get3A_148] : memref<1x1x16xi32, #tpu.memory_space<smem>>
    %get3A_150 = arith.constant 0 : index
    %get3A_151 = arith.index_cast %get3A_149 : i32 to index
    %get3A_152 = arith.constant 0 : index
    %get3A_153 = vector.load %arg1[%get3A_150, %get3A_151, %get3A_152] : memref<1x8192x128xf32, #tpu.memory_space<vmem>>, vector<1x1x128xf32>
    %get3A_154 = vector.shape_cast %get3A_153 : vector<1x1x128xf32> to vector<1x128xf32>
    %get3A_155 = arith.constant 0 : index
    %get3A_156 = arith.constant 0 : index
    %get3A_157 = arith.constant 8 : index
    %get3A_158 = memref.load %arg13[%get3A_155, %get3A_156, %get3A_157] : memref<1x1x16xi32, #tpu.memory_space<smem>>
    %get3A_159 = arith.constant 0 : index
    %get3A_160 = arith.index_cast %get3A_158 : i32 to index
    %get3A_161 = arith.constant 0 : index
    %get3A_162 = vector.load %arg1[%get3A_159, %get3A_160, %get3A_161] : memref<1x8192x128xf32, #tpu.memory_space<vmem>>, vector<1x1x128xf32>
    %get3A_163 = vector.shape_cast %get3A_162 : vector<1x1x128xf32> to vector<1x128xf32>
    %get3A_164 = arith.constant 0 : index
    %get3A_165 = arith.constant 0 : index
    %get3A_166 = arith.constant 9 : index
    %get3A_167 = memref.load %arg13[%get3A_164, %get3A_165, %get3A_166] : memref<1x1x16xi32, #tpu.memory_space<smem>>
    %get3A_168 = arith.constant 0 : index
    %get3A_169 = arith.index_cast %get3A_167 : i32 to index
    %get3A_170 = arith.constant 0 : index
    %get3A_171 = vector.load %arg1[%get3A_168, %get3A_169, %get3A_170] : memref<1x8192x128xf32, #tpu.memory_space<vmem>>, vector<1x1x128xf32>
    %get3A_172 = vector.shape_cast %get3A_171 : vector<1x1x128xf32> to vector<1x128xf32>
    %get3A_173 = arith.constant 0 : index
    %get3A_174 = arith.constant 0 : index
    %get3A_175 = arith.constant 10 : index
    %get3A_176 = memref.load %arg13[%get3A_173, %get3A_174, %get3A_175] : memref<1x1x16xi32, #tpu.memory_space<smem>>
    %get3A_177 = arith.constant 0 : index
    %get3A_178 = arith.index_cast %get3A_176 : i32 to index
    %get3A_179 = arith.constant 0 : index
    %get3A_180 = vector.load %arg1[%get3A_177, %get3A_178, %get3A_179] : memref<1x8192x128xf32, #tpu.memory_space<vmem>>, vector<1x1x128xf32>
    %get3A_181 = vector.shape_cast %get3A_180 : vector<1x1x128xf32> to vector<1x128xf32>
    %get3A_182 = arith.constant 0 : index
    %get3A_183 = arith.constant 0 : index
    %get3A_184 = arith.constant 11 : index
    %get3A_185 = memref.load %arg13[%get3A_182, %get3A_183, %get3A_184] : memref<1x1x16xi32, #tpu.memory_space<smem>>
    %get3A_186 = arith.constant 0 : index
    %get3A_187 = arith.index_cast %get3A_185 : i32 to index
    %get3A_188 = arith.constant 0 : index
    %get3A_189 = vector.load %arg1[%get3A_186, %get3A_187, %get3A_188] : memref<1x8192x128xf32, #tpu.memory_space<vmem>>, vector<1x1x128xf32>
    %get3A_190 = vector.shape_cast %get3A_189 : vector<1x1x128xf32> to vector<1x128xf32>
    %get3A_191 = arith.constant 0 : index
    %get3A_192 = arith.constant 0 : index
    %get3A_193 = arith.constant 12 : index
    %get3A_194 = memref.load %arg13[%get3A_191, %get3A_192, %get3A_193] : memref<1x1x16xi32, #tpu.memory_space<smem>>
    %get3A_195 = arith.constant 0 : index
    %get3A_196 = arith.index_cast %get3A_194 : i32 to index
    %get3A_197 = arith.constant 0 : index
    %get3A_198 = vector.load %arg1[%get3A_195, %get3A_196, %get3A_197] : memref<1x8192x128xf32, #tpu.memory_space<vmem>>, vector<1x1x128xf32>
    %get3A_199 = vector.shape_cast %get3A_198 : vector<1x1x128xf32> to vector<1x128xf32>
    %get3A_200 = arith.constant 0 : index
    %get3A_201 = arith.constant 0 : index
    %get3A_202 = arith.constant 13 : index
    %get3A_203 = memref.load %arg13[%get3A_200, %get3A_201, %get3A_202] : memref<1x1x16xi32, #tpu.memory_space<smem>>
    %get3A_204 = arith.constant 0 : index
    %get3A_205 = arith.index_cast %get3A_203 : i32 to index
    %get3A_206 = arith.constant 0 : index
    %get3A_207 = vector.load %arg1[%get3A_204, %get3A_205, %get3A_206] : memref<1x8192x128xf32, #tpu.memory_space<vmem>>, vector<1x1x128xf32>
    %get3A_208 = vector.shape_cast %get3A_207 : vector<1x1x128xf32> to vector<1x128xf32>
    %get3A_209 = arith.constant 0 : index
    %get3A_210 = arith.constant 0 : index
    %get3A_211 = arith.constant 14 : index
    %get3A_212 = memref.load %arg13[%get3A_209, %get3A_210, %get3A_211] : memref<1x1x16xi32, #tpu.memory_space<smem>>
    %get3A_213 = arith.constant 0 : index
    %get3A_214 = arith.index_cast %get3A_212 : i32 to index
    %get3A_215 = arith.constant 0 : index
    %get3A_216 = vector.load %arg1[%get3A_213, %get3A_214, %get3A_215] : memref<1x8192x128xf32, #tpu.memory_space<vmem>>, vector<1x1x128xf32>
    %get3A_217 = vector.shape_cast %get3A_216 : vector<1x1x128xf32> to vector<1x128xf32>
    %get3A_218 = arith.constant 0 : index
    %get3A_219 = arith.constant 0 : index
    %get3A_220 = arith.constant 15 : index
    %get3A_221 = memref.load %arg13[%get3A_218, %get3A_219, %get3A_220] : memref<1x1x16xi32, #tpu.memory_space<smem>>
    %get3A_222 = arith.constant 0 : index
    %get3A_223 = arith.index_cast %get3A_221 : i32 to index
    %get3A_224 = arith.constant 0 : index
    %get3A_225 = vector.load %arg1[%get3A_222, %get3A_223, %get3A_224] : memref<1x8192x128xf32, #tpu.memory_space<vmem>>, vector<1x1x128xf32>
    %get3A_226 = vector.shape_cast %get3A_225 : vector<1x1x128xf32> to vector<1x128xf32>
    %concatenate3A_227 = tpu.concatenate %get3A_91, %get3A_100, %get3A_109, %get3A_118, %get3A_127, %get3A_136, %get3A_145, %get3A_154, %get3A_163, %get3A_172, %get3A_181, %get3A_190, %get3A_199, %get3A_208, %get3A_217, %get3A_226 in 0 : vector<1x128xf32>, vector<1x128xf32>, vector<1x128xf32>, vector<1x128xf32>, vector<1x128xf32>, vector<1x128xf32>, vector<1x128xf32>, vector<1x128xf32>, vector<1x128xf32>, vector<1x128xf32>, vector<1x128xf32>, vector<1x128xf32>, vector<1x128xf32>, vector<1x128xf32>, vector<1x128xf32>, vector<1x128xf32> -> vector<16x128xf32>
    %get3A_228 = arith.constant 0 : index
    %get3A_229 = arith.constant 0 : index
    %get3A_230 = arith.constant 0 : index
    %get3A_231 = vector.load %arg12[%get3A_228, %get3A_229, %get3A_230] : memref<1x16x1xi32, #tpu.memory_space<vmem>>, vector<1x16x1xi32>
    %get3A_232 = vector.shape_cast %get3A_231 : vector<1x16x1xi32> to vector<16x1xi32>
    %jit3A = arith.constant 128 : i32
    %div3A_233 = vector.broadcast %jit3A : i32 to vector<16x1xi32>
    %div3A_234 = arith.divsi %get3A_232, %div3A_233 : vector<16x1xi32>
    %sign3A = arith.constant 0 : i32
    %sign3A_235 = vector.broadcast %sign3A : i32 to vector<16x1xi32>
    %sign3A_236 = arith.cmpi sgt, %get3A_232, %sign3A_235 : vector<16x1xi32>
    %sign3A_237 = arith.extui %sign3A_236 : vector<16x1xi1> to vector<16x1xi32>
    %sign3A_238 = arith.constant 0 : i32
    %sign3A_239 = vector.broadcast %sign3A_238 : i32 to vector<16x1xi32>
    %sign3A_240 = arith.cmpi slt, %get3A_232, %sign3A_239 : vector<16x1xi32>
    %sign3A_241 = arith.extui %sign3A_240 : vector<16x1xi1> to vector<16x1xi32>
    %sign3A_242 = arith.subi %sign3A_237, %sign3A_241 : vector<16x1xi32>
    %sign3A_243 = arith.constant 0 : i32
    %sign3A_244 = arith.cmpi sgt, %jit3A, %sign3A_243 : i32
    %sign3A_245 = arith.extui %sign3A_244 : i1 to i32
    %sign3A_246 = arith.constant 0 : i32
    %sign3A_247 = arith.cmpi slt, %jit3A, %sign3A_246 : i32
    %sign3A_248 = arith.extui %sign3A_247 : i1 to i32
    %sign3A_249 = arith.subi %sign3A_245, %sign3A_248 : i32
    %ne3A = vector.broadcast %sign3A_249 : i32 to vector<16x1xi32>
    %ne3A_250 = arith.cmpi ne, %sign3A_242, %ne3A : vector<16x1xi32>
    %rem3A = vector.broadcast %jit3A : i32 to vector<16x1xi32>
    %rem3A_251 = arith.remsi %get3A_232, %rem3A : vector<16x1xi32>
    %ne3A_252 = arith.constant 0 : i32
    %ne3A_253 = vector.broadcast %ne3A_252 : i32 to vector<16x1xi32>
    %ne3A_254 = arith.cmpi ne, %rem3A_251, %ne3A_253 : vector<16x1xi32>
    %and3A = arith.andi %ne3A_250, %ne3A_254 : vector<16x1xi1>
    %sub3A = arith.constant 1 : i32
    %sub3A_255 = vector.broadcast %sub3A : i32 to vector<16x1xi32>
    %sub3A_256 = arith.subi %div3A_234, %sub3A_255 : vector<16x1xi32>
    %select_n3A = arith.select %and3A, %sub3A_256, %div3A_234 : vector<16x1xi1>, vector<16x1xi32>
    %jit3A_257 = arith.constant 128 : i32
    %eq3A = arith.constant 0 : i32
    %eq3A_258 = arith.cmpi eq, %jit3A_257, %eq3A : i32
    %jit3A_259 = arith.constant 1 : i32
    %select_n3A_260 = arith.select %eq3A_258, %jit3A_259, %jit3A_257 : i32
    %rem3A_261 = vector.broadcast %select_n3A_260 : i32 to vector<16x1xi32>
    %rem3A_262 = arith.remsi %get3A_232, %rem3A_261 : vector<16x1xi32>
    %ne3A_263 = arith.constant 0 : i32
    %ne3A_264 = vector.broadcast %ne3A_263 : i32 to vector<16x1xi32>
    %ne3A_265 = arith.cmpi ne, %rem3A_262, %ne3A_264 : vector<16x1xi32>
    %lt3A_266 = arith.constant 0 : i32
    %lt3A_267 = vector.broadcast %lt3A_266 : i32 to vector<16x1xi32>
    %lt3A_268 = arith.cmpi slt, %rem3A_262, %lt3A_267 : vector<16x1xi32>
    %lt3A_269 = arith.constant 0 : i32
    %lt3A_270 = arith.cmpi slt, %select_n3A_260, %lt3A_269 : i32
    %ne3A_271 = vector.broadcast %lt3A_270 : i1 to vector<16x1xi1>
    %ne3A_272 = vector.broadcast %ne3A_271 : vector<16x1xi1> to vector<16x1xi1>
    %ne3A_273 = arith.xori %lt3A_268, %ne3A_272 : vector<16x1xi1>
    %and3A_274 = arith.andi %ne3A_273, %ne3A_265 : vector<16x1xi1>
    %add3A_275 = vector.broadcast %select_n3A_260 : i32 to vector<16x1xi32>
    %add3A_276 = arith.addi %rem3A_262, %add3A_275 : vector<16x1xi32>
    %select_n3A_277 = arith.select %and3A_274, %add3A_276, %rem3A_262 : vector<16x1xi1>, vector<16x1xi32>
    %iota3A_278 = tpu.iota {dimensions = array<i32: 1>} : vector<16x64xi32>
    %eq3A_279 = vector.broadcast %select_n3A : vector<16x1xi32> to vector<16x64xi32>
    %eq3A_280 = arith.cmpi eq, %iota3A_278, %eq3A_279 : vector<16x64xi32>
    %convert_element_type3A_281 = arith.extui %eq3A_280 : vector<16x64xi1> to vector<16x64xi32>
    %convert_element_type3A_282 = arith.sitofp %convert_element_type3A_281 : vector<16x64xi32> to vector<16x64xf32>
    %iota3A_283 = tpu.iota {dimensions = array<i32: 1>} : vector<16x128xi32>
    %eq3A_284 = vector.broadcast %select_n3A_277 : vector<16x1xi32> to vector<16x128xi32>
    %eq3A_285 = arith.cmpi eq, %iota3A_283, %eq3A_284 : vector<16x128xi32>
    %convert_element_type3A_286 = arith.extui %eq3A_285 : vector<16x128xi1> to vector<16x128xi32>
    %convert_element_type3A_287 = arith.sitofp %convert_element_type3A_286 : vector<16x128xi32> to vector<16x128xf32>
    %dot_general3A_288 = arith.constant dense<0.000000e+00> : vector<16x128xf32>
    %dot_general3A_289 = tpu.matmul %convert_element_type3A_282, %logistic3A_29, %dot_general3A_288 {dimension_numbers = #tpu.dot_dimension_numbers<[1], [0], [0], [1], [0, 0, 1, 1], [], []>, precision = #tpu.contract_precision<fp32>, transpose_lhs_hint = false} : vector<16x64xf32>, vector<64x128xf32>, vector<16x128xf32> -> vector<16x128xf32>
    %mul3A_290 = arith.mulf %dot_general3A_289, %convert_element_type3A_287 : vector<16x128xf32>
    %reduce_sum3A_291 = arith.constant dense<0.000000e+00> : vector<16xf32>
    %reduce_sum3A_292 = vector.multi_reduction <add>, %mul3A_290, %reduce_sum3A_291 [1] : vector<16x128xf32> to vector<16xf32>
    %broadcast_in_dim3A_293 = vector.shape_cast %reduce_sum3A_292 : vector<16xf32> to vector<16x1xf32>
    %dot_general3A_294 = arith.constant dense<0.000000e+00> : vector<16x128xf32>
    %dot_general3A_295 = tpu.matmul %convert_element_type3A_282, %div3A, %dot_general3A_294 {dimension_numbers = #tpu.dot_dimension_numbers<[1], [0], [0], [1], [0, 0, 1, 1], [], []>, precision = #tpu.contract_precision<fp32>, transpose_lhs_hint = false} : vector<16x64xf32>, vector<64x128xf32>, vector<16x128xf32> -> vector<16x128xf32>
    %mul3A_296 = arith.mulf %dot_general3A_295, %convert_element_type3A_287 : vector<16x128xf32>
    %reduce_sum3A_297 = arith.constant dense<0.000000e+00> : vector<16xf32>
    %reduce_sum3A_298 = vector.multi_reduction <add>, %mul3A_296, %reduce_sum3A_297 [1] : vector<16x128xf32> to vector<16xf32>
    %broadcast_in_dim3A_299 = vector.shape_cast %reduce_sum3A_298 : vector<16xf32> to vector<16x1xf32>
    %convert_element_type3A_300 = arith.sitofp %get3A_232 : vector<16x1xi32> to vector<16x1xf32>
    %mul3A_301 = arith.constant 1.22070313E-4 : f32
    %mul3A_302 = vector.broadcast %mul3A_301 : f32 to vector<16x1xf32>
    %mul3A_303 = arith.mulf %convert_element_type3A_300, %mul3A_302 : vector<16x1xf32>
    %concatenate3A_304 = tpu.concatenate %concatenate3A_227, %broadcast_in_dim3A_293, %mul3A_303, %broadcast_in_dim3A_299 in 1 : vector<16x128xf32>, vector<16x1xf32>, vector<16x1xf32>, vector<16x1xf32> -> vector<16x131xf32>
    %sub3A_305 = vector.broadcast %concatenate3A : vector<1x131xf32> to vector<16x131xf32>
    %sub3A_306 = arith.subf %concatenate3A_304, %sub3A_305 : vector<16x131xf32>
    %get3A_307 = arith.constant 0 : index
    %get3A_308 = arith.constant 0 : index
    %get3A_309 = vector.load %arg10[%get3A_307, %get3A_308] : memref<1x131xf32, #tpu.memory_space<vmem>>, vector<1x131xf32>
    %sub3A_310 = vector.broadcast %get3A_309 : vector<1x131xf32> to vector<16x131xf32>
    %sub3A_311 = arith.subf %sub3A_306, %sub3A_310 : vector<16x131xf32>
    %get3A_312 = arith.constant 0 : index
    %get3A_313 = arith.constant 0 : index
    %get3A_314 = vector.load %arg11[%get3A_312, %get3A_313] : memref<1x131xf32, #tpu.memory_space<vmem>>, vector<1x131xf32>
    %div3A_315 = vector.broadcast %get3A_314 : vector<1x131xf32> to vector<16x131xf32>
    %div3A_316 = arith.divf %sub3A_311, %div3A_315 : vector<16x131xf32>
    %get3A_317 = arith.constant 0 : index
    %get3A_318 = arith.constant 0 : index
    %get3A_319 = vector.load %arg6[%get3A_317, %get3A_318] : memref<131x16xf32, #tpu.memory_space<vmem>>, vector<131x16xf32>
    %dot_general3A_320 = arith.constant dense<0.000000e+00> : vector<16x16xf32>
    %dot_general3A_321 = tpu.matmul %div3A_316, %get3A_319, %dot_general3A_320 {dimension_numbers = #tpu.dot_dimension_numbers<[1], [0], [0], [1], [0, 0, 1, 1], [], []>, precision = #tpu.contract_precision<fp32>, transpose_lhs_hint = false} : vector<16x131xf32>, vector<131x16xf32>, vector<16x16xf32> -> vector<16x16xf32>
    %get3A_322 = arith.constant 0 : index
    %get3A_323 = arith.constant 0 : index
    %get3A_324 = vector.load %arg7[%get3A_322, %get3A_323] : memref<1x16xf32, #tpu.memory_space<vmem>>, vector<1x16xf32>
    %add3A_325 = vector.broadcast %get3A_324 : vector<1x16xf32> to vector<16x16xf32>
    %add3A_326 = arith.addf %dot_general3A_321, %add3A_325 : vector<16x16xf32>
    %get3A_327 = arith.constant 0 : index
    %get3A_328 = arith.constant 0 : index
    %get3A_329 = vector.load %arg8[%get3A_327, %get3A_328] : memref<16x1024xf32, #tpu.memory_space<vmem>>, vector<16x1024xf32>
    %dot_general3A_330 = arith.constant dense<0.000000e+00> : vector<16x1024xf32>
    %dot_general3A_331 = tpu.matmul %add3A_326, %get3A_329, %dot_general3A_330 {dimension_numbers = #tpu.dot_dimension_numbers<[1], [0], [0], [1], [0, 0, 1, 1], [], []>, precision = #tpu.contract_precision<fp32>, transpose_lhs_hint = false} : vector<16x16xf32>, vector<16x1024xf32>, vector<16x1024xf32> -> vector<16x1024xf32>
    %get3A_332 = arith.constant 0 : index
    %get3A_333 = arith.constant 0 : index
    %get3A_334 = vector.load %arg9[%get3A_332, %get3A_333] : memref<1x1024xf32, #tpu.memory_space<vmem>>, vector<1x1024xf32>
    %add3A_335 = vector.broadcast %get3A_334 : vector<1x1024xf32> to vector<16x1024xf32>
    %add3A_336 = arith.addf %dot_general3A_331, %add3A_335 : vector<16x1024xf32>
    %swap3A = arith.constant 0 : index
    %swap3A_337 = arith.constant 0 : index
    %swap3A_338 = arith.constant 0 : index
    %swap3A_339 = vector.load %arg14[%swap3A, %swap3A_337, %swap3A_338] : memref<1x16x1024xf32, #tpu.memory_space<vmem>>, vector<1x16x1024xf32>
    %swap3A_340 = vector.shape_cast %swap3A_339 : vector<1x16x1024xf32> to vector<16x1024xf32>
    %swap3A_341 = vector.shape_cast %add3A_336 : vector<16x1024xf32> to vector<1x16x1024xf32>
    tpu.vector_store %arg14[%swap3A, %swap3A_337, %swap3A_338], %swap3A_341 {strides = array<i32>} : memref<1x16x1024xf32, #tpu.memory_space<vmem>>, vector<1x16x1024xf32>,
    return
  }
  func.func @transform_0(%arg0: i32) -> (i32, i32, i32) {
    %c0_i32 = arith.constant 0 : i32
    %c0_i32_0 = arith.constant 0 : i32
    %c0_i32_1 = arith.constant 0 : i32
    return %arg0, %c0_i32, %c0_i32_0 : i32, i32, i32
  }
  func.func @transform_1(%arg0: i32) -> (i32, i32) {
    %c0_i32 = arith.constant 0 : i32
    %c0_i32_0 = arith.constant 0 : i32
    %c0_i32_1 = arith.constant 0 : i32
    return %c0_i32, %c0_i32_0 : i32, i32
  }
  func.func @transform_2(%arg0: i32) -> (i32, i32) {
    %c0_i32 = arith.constant 0 : i32
    %c0_i32_0 = arith.constant 0 : i32
    %c0_i32_1 = arith.constant 0 : i32
    return %c0_i32, %c0_i32_0 : i32, i32
  }
  func.func @transform_3(%arg0: i32) -> (i32, i32) {
    %c0_i32 = arith.constant 0 : i32
    %c0_i32_0 = arith.constant 0 : i32
    %c0_i32_1 = arith.constant 0 : i32
    return %c0_i32, %c0_i32_0 : i32, i32
  }
  func.func @transform_4(%arg0: i32) -> (i32, i32) {
    %c0_i32 = arith.constant 0 : i32
    %c0_i32_0 = arith.constant 0 : i32
    %c0_i32_1 = arith.constant 0 : i32
    return %c0_i32, %c0_i32_0 : i32, i32
  }
  func.func @transform_5(%arg0: i32) -> (i32, i32) {
    %c0_i32 = arith.constant 0 : i32
    %c0_i32_0 = arith.constant 0 : i32
    %c0_i32_1 = arith.constant 0 : i32
    return %c0_i32, %c0_i32_0 : i32, i32
  }
  func.func @transform_6(%arg0: i32) -> (i32, i32) {
    %c0_i32 = arith.constant 0 : i32
    %c0_i32_0 = arith.constant 0 : i32
    %c0_i32_1 = arith.constant 0 : i32
    return %c0_i32, %c0_i32_0 : i32, i32
  }
  func.func @transform_7(%arg0: i32) -> (i32, i32) {
    %c0_i32 = arith.constant 0 : i32
    %c0_i32_0 = arith.constant 0 : i32
    %c0_i32_1 = arith.constant 0 : i32
    return %c0_i32, %c0_i32_0 : i32, i32
  }
  func.func @transform_8(%arg0: i32) -> (i32, i32) {
    %c0_i32 = arith.constant 0 : i32
    %c0_i32_0 = arith.constant 0 : i32
    %c0_i32_1 = arith.constant 0 : i32
    return %c0_i32, %c0_i32_0 : i32, i32
  }
  func.func @transform_9(%arg0: i32) -> (i32, i32) {
    %c0_i32 = arith.constant 0 : i32
    %c0_i32_0 = arith.constant 0 : i32
    %c0_i32_1 = arith.constant 0 : i32
    return %c0_i32, %c0_i32_0 : i32, i32
  }
  func.func @transform_10(%arg0: i32) -> (i32, i32) {
    %c0_i32 = arith.constant 0 : i32
    %c0_i32_0 = arith.constant 0 : i32
    %c0_i32_1 = arith.constant 0 : i32
    return %c0_i32, %c0_i32_0 : i32, i32
  }
  func.func @transform_11(%arg0: i32) -> (i32, i32, i32) {
    %c0_i32 = arith.constant 0 : i32
    %c0_i32_0 = arith.constant 0 : i32
    %c0_i32_1 = arith.constant 0 : i32
    return %arg0, %c0_i32, %c0_i32_0 : i32, i32, i32
  }
  func.func @transform_12(%arg0: i32) -> (i32, i32, i32) {
    %c0_i32 = arith.constant 0 : i32
    %c0_i32_0 = arith.constant 0 : i32
    %c0_i32_1 = arith.constant 0 : i32
    return %arg0, %c0_i32, %c0_i32_0 : i32, i32, i32
  }
  func.func @transform_13(%arg0: i32) -> (i32, i32, i32) {
    %c0_i32 = arith.constant 0 : i32
    %c0_i32_0 = arith.constant 0 : i32
    %c0_i32_1 = arith.constant 0 : i32
    return %arg0, %c0_i32, %c0_i32_0 : i32, i32, i32
  }
}

</mosaic_0001>

<sc_bundles>
// kernel: kernel.4.cloned.1.call-start
scs
__scs_entry_jumppad:
0x0: {  	(pc) =	sbr.rel $0x88, $3  }
0x1: {  	(tag) =	ssettag $0x0;
	lr =	simm.s32 $0x1  }
0x2: {  	[smem:$0x3F95] =	sst lr;
	_ =	strace $0xD0000000  }
0x3: {  	_ = 	snop  }
0x4: {  	_ = 	snop  }
0x5: {  	_ = 	snop  }
0x6: {  	_ = 	snop  }
0x7: {  	_ = 	snop  }
__scs_overlays_trampoline_lowered:
0x8: {  	[smem:$0x3FA4] =	sst s0  }
0x9: {  	[smem:$0x3FA5] =	sst s1  }
0xa: {  	[smem:$0x3FA6] =	sst s2  }
0xb: {  	[smem:$0x3FA7] =	sst s3  }
0xc: {  	[smem:$0x3FA8] =	sst s4  }
0xd: {  	[smem:$0x3FA9] =	sst s5  }
0xe: {  	[smem:$0x3FAA] =	sst s6  }
0xf: {  	[smem:$0x3FAB] =	sst s7  }
0x10: {  	[smem:$0x3FAC] =	sst s8  }
0x11: {  	[smem:$0x3FAD] =	sst s9;
	s0 =	simm.s32 @!p0 $0x0  }
0x12: {  	s1 =	sld [smem:$0x3F93];
	s0 =	simm.s32 @p0 $0x1  }
0x13: {  	[smem:$0x3FAE] =	sst s0;
	s0 =	simm.s32 @!p1 $0x0  }
0x14: {  	s2 =	sld [smem:$0x3F92];
	s0 =	simm.s32 @p1 $0x1  }
0x15: {  	[smem:$0x3FAF] =	sst s0;
	s0 =	simm.s32 @!p2 $0x0  }
0x16: {  	s3 =	sld [smem:$0x3FDB];
	s0 =	simm.s32 @p2 $0x1  }
0x17: {  	s4 =	simm.s32 $0x1BF5;
	[smem:$0x3FB1] =	sst s0  }
0x18: {  	s0 =	sld [smem:$0x3F94];
	_ =	swait.ge [sflag:s4], $0x0  }
0x19: {  	s7 =	sld [smem:$0x3F95]  }
0x1a: {  	s8 =	sadd.s32 $0xFFFFE003, lr  }
0x1b: {  	s9 =	sadd.s32 $0xFFFFFEF7, lr;
	s5 =	simm.s32 $0xFFFFFFFF;
	p2 =	slt.u32 s8, $0xFFFFF086  }
0x1c: {  	p1 =	slt.u32 s9, $0xF7A;
	s5 =	simm.s32 @!p2 $0x0  }
0x1d: {  	s5 =	simm.s32 @p1 $0x1;
	p0 =	seq.s32 s7, s2  }
0x1e: {  	s7 =	smul.u32 @!p0 $0xF7A, s2;
	p2 =	seq.s32 @!p0 s5, $0x0  }
0x1f: {  	s9 =	smul.u32 $0xF7A, s1;
	s8 =	simm.s32 @!p0 $0x1BF5;
	p2 =	por !p2, p0  }
0x20: {  	[sflag:s8] =	ssyncset.s32 @!p0 $0xFFFFF086;
	s6 =	sadd.s32 @!p0 s3, s7;
	s7 =	simm.s32 @!p0 $0x108  }
0x21: {  	s3 =	sadd.s32 s3, s9;
	s6 =	sadd.s32 @!p0 $0x88, s6;
	s7 =	simm.s32 @p2 $0x1082  }
0x22: {  	[simem:s7], [sflag:s8] =	dma.local @!p0 [hbm:s6], $0xF7A  }
0x23: {  	s9 =	sor.u32 $0xD0000000, s2;
	s6 =	simm.s32 $0x108;
	_ =	swait.ge @!p0 [sflag:s8], $0x0  }
0x24: {  	s3 =	sadd.s32 $0x88, s3;
	s6 =	simm.s32 @!p1 $0x1082;
	[sflag:s4] =	ssyncset.s32 $0xFFFFF086  }
0x25: {  	[simem:s6], [sflag:s4] =	dma.local [hbm:s3], $0xF7A  }
0x26: {  	[smem:$0x3F95] =	sst s1;
	(tag) =	ssettag s2;
	_ =	strace s9  }
0x27: {  	s1 =	sld [smem:$0x3FA5]  }
0x28: {  	s2 =	sld [smem:$0x3FA6]  }
0x29: {  	s4 =	sld [smem:$0x3FA8]  }
0x2a: {  	p0 =	seq.s32 s5, $0x0;
	s5 =	sld [smem:$0x3FA9]  }
0x2b: {  	s6 =	sld [smem:$0x3FAA]  }
0x2c: {  	s7 =	sld [smem:$0x3FAB]  }
0x2d: {  	s3 =	simm.s32 $0x108;
	s8 =	sld [smem:$0x3FAC]  }
0x2e: {  	s3 =	simm.s32 @!p0 $0x1082;
	s9 =	sld [smem:$0x3FAD]  }
0x2f: {  	lr =	sadd.s32 s0, s3;
	s0 =	sld [smem:$0x3FA4]  }
0x30: {  	s3 =	sld [smem:$0x3FA7]  }
0x31: {  	[smem:$0x3FB0] =	sst s10  }
0x32: {  	s10 =	sld [smem:$0x3FAE];
	_ =	sdelay $0x3  }
0x33: {  	p0 =	seq.s32 s10, $0x1;
	s10 =	sld [smem:$0x3FB0];
	_ =	sdelay $0x3  }
0x34: {  	[smem:$0x3FB0] =	sst s10  }
0x35: {  	s10 =	sld [smem:$0x3FAF];
	_ =	sdelay $0x3  }
0x36: {  	p1 =	seq.s32 s10, $0x1;
	s10 =	sld [smem:$0x3FB0];
	_ =	sdelay $0x3  }
0x37: {  	[smem:$0x3FB0] =	sst s10  }
0x38: {  	s10 =	sld [smem:$0x3FB1]  }
0x39: {  	_ = 	snop;
	(pc) =	sbr.ind lr, $3  }
0x3a: {  	_ = 	snop  }
0x3b: {  	_ = 	snop  }
0x3c: {  	p2 =	seq.s32 s10, $0x1;
	s10 =	sld [smem:$0x3FB0]  }
0x3d: {  	_ =	shalt  }
0x3e: {  	_ =	shalt  }
0x3f: {  	_ =	shalt  }
0x40: {  	_ =	shalt  }
0x41: {  	_ =	shalt  }
0x42: {  	_ =	shalt  }
0x43: {  	_ =	shalt  }
0x44: {  	_ =	shalt  }
0x45: {  	_ =	shalt  }
0x46: {  	_ =	shalt  }
0x47: {  	_ =	shalt  }
0x48: {  	_ =	shalt  }
0x49: {  	_ =	shalt  }
0x4a: {  	_ =	shalt  }
0x4b: {  	_ =	shalt  }
0x4c: {  	_ =	shalt  }
0x4d: {  	_ =	shalt  }
0x4e: {  	_ =	shalt  }
0x4f: {  	_ =	shalt  }
0x50: {  	_ =	shalt  }
0x51: {  	_ =	shalt  }
0x52: {  	_ =	shalt  }
0x53: {  	_ =	shalt  }
0x54: {  	_ =	shalt  }
0x55: {  	_ =	shalt  }
0x56: {  	_ =	shalt  }
0x57: {  	_ =	shalt  }
0x58: {  	_ =	shalt  }
0x59: {  	_ =	shalt  }
0x5a: {  	_ =	shalt  }
0x5b: {  	_ =	shalt  }
0x5c: {  	_ =	shalt  }
0x5d: {  	_ =	shalt  }
0x5e: {  	_ =	shalt  }
0x5f: {  	_ =	shalt  }
0x60: {  	_ =	shalt  }
0x61: {  	_ =	shalt  }
0x62: {  	_ =	shalt  }
0x63: {  	_ =	shalt  }
0x64: {  	_ =	shalt  }
0x65: {  	_ =	shalt  }
0x66: {  	_ =	shalt  }
0x67: {  	_ =	shalt  }
0x68: {  	_ =	shalt  }
0x69: {  	_ =	shalt  }
0x6a: {  	_ =	shalt  }
0x6b: {  	_ =	shalt  }
0x6c: {  	_ =	shalt  }
0x6d: {  	_ =	shalt  }
0x6e: {  	_ =	shalt  }
0x6f: {  	_ =	shalt  }
0x70: {  	_ =	shalt  }
0x71: {  	_ =	shalt  }
0x72: {  	_ =	shalt  }
0x73: {  	_ =	shalt  }
0x74: {  	_ =	shalt  }
0x75: {  	_ =	shalt  }
0x76: {  	_ =	shalt  }
0x77: {  	_ =	shalt  }
0x78: {  	_ =	shalt  }
0x79: {  	_ =	shalt  }
0x7a: {  	_ =	shalt  }
0x7b: {  	_ =	shalt  }
0x7c: {  	_ =	shalt  }
0x7d: {  	_ =	shalt  }
0x7e: {  	_ =	shalt  }
0x7f: {  	_ =	shalt  }
0x80: {  	_ =	shalt  }
0x81: {  	_ =	shalt  }
0x82: {  	_ =	shalt  }
0x83: {  	_ =	shalt  }
0x84: {  	_ =	shalt  }
0x85: {  	_ =	shalt  }
0x86: {  	_ =	shalt  }
0x87: {  	_ =	shalt  }
.Lfunc_end0:
.L_simem_size_0:
called_computation_lowered:
.L_overlay_start_0:
0x88: {  	s2 =	sld [smem:$0x3FD9]  }
0x89: {  	s3 =	sld [smem:$0x3FFE];
	_ =	sdelay $0x1  }
0x8a: {  	s1 =	srdreg.scid  }
0x8b: {  	s0 =	sand.u32 $0x1, s1  }
0x8c: {  	s16 =	sshll.u32 s0, $0xA;
	s2 =	sadd.s32 s3, s2  }
0x8d: {  	s2 =	sadd.s32 s2, s16  }
0x8e: {  	[smem:$0x3FBC] =	sst s2  }
0x8f: {  	_ = 	snop  }
0x90: {  	(tm) =	ssettm $0x1  }
0x91: {  	s17 =	sld [smem:$0x3FFB];
	_ =	sdelay $0x3  }
0x92: {  	_ =	strace s17  }
0x93: {  	s2 =	sld [smem:$0x3FFC];
	_ =	sdelay $0x3  }
0x94: {  	_ =	strace s2  }
0x95: {  	s2 =	sld [smem:$0x3FFD];
	_ =	sdelay $0x3  }
0x96: {  	_ =	strace s2  }
0x97: {  	_ =	strace $0x8FFFFFFF  }
0x98: {  	s18 =	sld [smem:$0x3FDB];
	_ =	sdelay $0x1  }
0x99: {  	s19 =	simm.s32 $_scs_section_size  }
0x9a: {  	s4 =	simm.s32 $_size__tile_overlayer_lowered;
	s5 =	simm.s32 $_tile_overlayer_lowered  }
0x9b: {  	s22 =	simm.s32 $0x1BFF;
	s21 =	sshll.u32 s5, $0x1;
	s2 =	sadd.s32 s19, s18  }
0x9c: {  	s6 =	simm.s32 $0x0;
	s20 =	sshll.u32 s4, $0x1;
	s4 =	sadd.s32 s21, s2  }
0x9d: {  	[timem:s6], [sflag:s22] =	dma.local [hbm:s4], s20  }
0x9e: {  	_ =	swait.ge [sflag:s22], s20  }
0x9f: {  	s3 =	ssub.s32 $0x0, s20;
	[sflag:s22] =	ssyncset.done $0x0  }
0xa0: {  	[sflag:s22] =	ssyncadd.s32 s3;
	_ =	sdelay $0x1  }
0xa1: {  	s23 =	simm.s32 $0x1B8B  }
0xa2: {  	_ =	swait.ge [sflag:s23], $0x1  }
0xa3: {  	[sflag:s23] =	ssyncset.done $0x0  }
0xa4: {  	s25 =	simm.s32 $0x1B8E;
	s24 =	sld [smem:$0x3FFE];
	[sflag:s23] =	ssyncadd.s32 $0xFFFFFFFF  }
0xa5: {  	s26 =	simm.s32 $execute0_lowered;
	[smem:$0x3FD2] =	sst s25  }
0xa6: {  	s4 =	sshll.u32 s26, $0x1;
	_ =	strace $0x80000046;
	[dreg:$0x1] =	wrdreg $0xFFFFFFFF  }
0xa7: {  	s28 =	simm.s32 $_size_execute0_lowered;
	s2 =	sadd.s32 s2, s4;
	[dreg:$0x0] =	wrdreg $0x0  }
0xa8: {  	s4 =	sshll.u32 s28, $0x1;
	[dreg:$0x2] =	wrdreg s2  }
0xa9: {  	[dreg:$0x3] =	wrdreg s4  }
0xaa: {  	[dreg:$0x4] =	wrdreg $0xC0  }
0xab: {  	_ =	task [dreg:s6], $0x5FFFF  }
0xac: {  	[dreg:$0x1] =	wrdreg $0xFFFFFFFF  }
0xad: {  	[dreg:$0x0] =	wrdreg $0x60  }
0xae: {  	[dreg:$0x2] =	wrdreg s24  }
0xaf: {  	[dreg:$0x3] =	wrdreg $0x9  }
0xb0: {  	_ =	task.clear_ibuf [dreg:s6], $0x4FFFF;
	_ =	strace $0x90000046  }
0xb1: {  	s29 =	simm.s32 $0x9;
	_ =	strace $0x80000048  }
0xb2: {  	_ =	swait.ge [sflag:s29], $0x1  }
0xb3: {  	[sflag:s29] =	ssyncadd.s32 $0xFFFFFFFF  }
0xb4: {  	_ =	strace $0x90000048  }
0xb5: {  	_ =	sfence  }
0xb6: {  	s30 =	sld [smem:$0x0];
	_ =	sdelay $0x2  }
0xb7: {  	s31 =	sshll.u32 s1, $0xD;
	s1 =	sshrl.u32 s1, $0x2  }
0xb8: {  	s3 =	sand.u32 $0x4000, s31;
	s1 =	sadd.s32 s1, s30  }
0xb9: {  	s0 =	sor.u32 s3, s0;
	s1 =	sshll.u32 s1, $0x11  }
0xba: {  	s0 =	sor.u32 s1, s0  }
0xbb: {  	s0 =	sadd.s32 $0x8F2B, s0  }
0xbc: {  	[sflag:s0] =	ssyncadd.remote.s32 $0x1  }
0xbd: {  	_ =	sfence.sel $0xFFFF  }
0xbe: {  	[dreg:$0x0] =	wrdreg $0xFFFFFFFF;
	(pc) =	sbr.abs _section_cstart, $3  }
0xbf: {  	[dreg:$0x1] =	wrdreg $0xFFFFFFFF  }
0xc0: {  	_ =	task.clear_ibuf [dreg:s6], $0x2FFFF;
	_ =	strace $0x9FFFFFFF  }
0xc1: {  	(tm) =	ssettm $0x7FFFFFFF  }
tec
execute0_lowered:
.L_overlay_start_1:
0x0: {  	(tag) =	ssettag $0x1  }
0x1: {  	s1 =	srdreg.scid  }
0x2: {  	s0 =	stileid.u32;
	s4 =	rddreg [dreg:$0x0]  }
0x3: {  	s2 =	simm.s32 $0x0;
	s3 =	sand.u32 $0x1, s1;
	s5 =	sshll.u32 s0, $0xB  }
0x4: {  	s1 =	rddreg [dreg:$0x1];
	s6 =	sshll.u32 s3, $0xA;
	s7 =	ssub.s32 $0x2, s3  }
0x5: {  	[smem:$0x7FF] =	sst s2;
	s5 =	sor.u32 s6, s5;
	s8 =	sshrl.u32 s7, $0x1  }
0x6: {  	_ =	strace $0x80000047;
	s6 =	sshrl.u32 s5, $0x3;
	s7 =	ssub.s32 s7, s8  }
0x7: {  	s3 =	sadd.s32 $0x1600, s4;
	v0 =	vmov s5;
	s6 =	sadd.s32 s6, s4;
	s5 =	smax.u32 s7, $0x1  }
0x8: {  	v1 =	vimm.f32 $0.0e+00;
	v2 =	vimm.f32 $1.000000000e+00;
	s7 =	simm.s32 $0x1;
	s4 =	sadd.s32 $0x1800, s6;
	s6 =	simm.s32 $0x400  }
.LBB2_1:
0x9: {  	[tilespmem:s6], [sflag:$0x1] =	stream.linear.gather [hbm4b:s3+s2], $0x80, $0x38;
	[tilespmem:$0x480] =	vst v63  }
0xa: {  	_ =	swait.ge [sflag:s7], $0x80  }
0xb: {  	[sflag:s7] =	ssyncset.done $0x0  }
0xc: {  	[sflag:s7] =	ssyncadd.s32 $0xFFFFFF80  }
0xd: {  	[tilespmem:$0x0] =	vst v1  }
0xe: {  	[tilespmem:$0x10] =	vst v1  }
0xf: {  	[tilespmem:$0x20] =	vst v1  }
0x10: {  	[tilespmem:$0x30] =	vst v1  }
0x11: {  	[tilespmem:$0x40] =	vst v1  }
0x12: {  	[tilespmem:$0x50] =	vst v1  }
0x13: {  	[tilespmem:$0x60] =	vst v1  }
0x14: {  	[tilespmem:$0x70] =	vst v1  }
0x15: {  	[tilespmem:$0x80] =	vst v1  }
0x16: {  	[tilespmem:$0x90] =	vst v1  }
0x17: {  	[tilespmem:$0xA0] =	vst v1  }
0x18: {  	[tilespmem:$0xB0] =	vst v1  }
0x19: {  	[tilespmem:$0xC0] =	vst v1  }
0x1a: {  	[tilespmem:$0xD0] =	vst v1  }
0x1b: {  	[tilespmem:$0xE0] =	vst v1  }
0x1c: {  	[tilespmem:$0xF0] =	vst v1  }
0x1d: {  	[tilespmem:$0x100] =	vst v1  }
0x1e: {  	[tilespmem:$0x110] =	vst v1  }
0x1f: {  	[tilespmem:$0x120] =	vst v1  }
0x20: {  	[tilespmem:$0x130] =	vst v1  }
0x21: {  	[tilespmem:$0x140] =	vst v1  }
0x22: {  	[tilespmem:$0x150] =	vst v1  }
0x23: {  	[tilespmem:$0x160] =	vst v1  }
0x24: {  	[tilespmem:$0x170] =	vst v1  }
0x25: {  	[tilespmem:$0x180] =	vst v1  }
0x26: {  	[tilespmem:$0x190] =	vst v1  }
0x27: {  	[tilespmem:$0x1A0] =	vst v1  }
0x28: {  	[tilespmem:$0x1B0] =	vst v1  }
0x29: {  	[tilespmem:$0x1C0] =	vst v1  }
0x2a: {  	[tilespmem:$0x1D0] =	vst v1  }
0x2b: {  	[tilespmem:$0x1E0] =	vst v1  }
0x2c: {  	[tilespmem:$0x1F0] =	vst v1  }
0x2d: {  	[tilespmem:$0x200] =	vst v1  }
0x2e: {  	[tilespmem:$0x210] =	vst v1  }
0x2f: {  	[tilespmem:$0x220] =	vst v1  }
0x30: {  	[tilespmem:$0x230] =	vst v1  }
0x31: {  	[tilespmem:$0x240] =	vst v1  }
0x32: {  	[tilespmem:$0x250] =	vst v1  }
0x33: {  	[tilespmem:$0x260] =	vst v1  }
0x34: {  	[tilespmem:$0x270] =	vst v1  }
0x35: {  	[tilespmem:$0x280] =	vst v1  }
0x36: {  	[tilespmem:$0x290] =	vst v1  }
0x37: {  	[tilespmem:$0x2A0] =	vst v1  }
0x38: {  	[tilespmem:$0x2B0] =	vst v1  }
0x39: {  	[tilespmem:$0x2C0] =	vst v1  }
0x3a: {  	[tilespmem:$0x2D0] =	vst v1  }
0x3b: {  	[tilespmem:$0x2E0] =	vst v1  }
0x3c: {  	[tilespmem:$0x2F0] =	vst v1  }
0x3d: {  	[tilespmem:$0x300] =	vst v1  }
0x3e: {  	[tilespmem:$0x310] =	vst v1  }
0x3f: {  	[tilespmem:$0x320] =	vst v1  }
0x40: {  	[tilespmem:$0x330] =	vst v1  }
0x41: {  	[tilespmem:$0x340] =	vst v1;
	v3 =	vld [tilespmem:$0x400]  }
0x42: {  	[tilespmem:$0x350] =	vst v1  }
0x43: {  	[tilespmem:$0x360] =	vst v1  }
0x44: {  	[tilespmem:$0x370] =	vst v1  }
0x45: {  	[tilespmem:$0x380] =	vst v1  }
0x46: {  	[tilespmem:$0x390] =	vst v1;
	v4 =	vsub.s32 v3, v0  }
0x47: {  	[tilespmem:$0x3A0] =	vst v1;
	v3 =	vand.u32 $0x7F, v3;
	vm0 =	vlt.u32 v4, $0x400;
	v4 =	vand.u32 $0xFFFFFF80, v4  }
0x48: {  	[tilespmem:$0x3B0] =	vst v1;
	v3 =	vor.u32 v3, v4  }
0x49: {  	[tilespmem:$0x3C0] =	vst v1  }
0x4a: {  	[tilespmem:$0x3D0] =	vst v1  }
0x4b: {  	[tilespmem:$0x3E0] =	vst v1  }
0x4c: {  	[tilespmem:$0x3F0] =	vst v1  }
0x4d: {  	[tilespmem:v3+s2+$0x0] =	vst.idx.msk vm0, v2  }
0x4e: {  	v3 =	vld [tilespmem:$0x410];
	_ =	sdelay $0x4  }
0x4f: {  	v61 =	vsub.s32 v3, v0  }
0x50: {  	v3 =	vand.u32 $0x7F, v3;
	vm13 =	vlt.u32 v61, $0x400;
	v4 =	vand.u32 $0xFFFFFF80, v61  }
0x51: {  	v3 =	vor.u32 v3, v4;
	_ =	sdelay $0x4  }
0x52: {  	[tilespmem:v3+s2+$0x0] =	vst.idx.msk vm13, v2  }
0x53: {  	v3 =	vld [tilespmem:$0x420];
	_ =	sdelay $0x4  }
0x54: {  	v62 =	vsub.s32 v3, v0  }
0x55: {  	v3 =	vand.u32 $0x7F, v3;
	vm14 =	vlt.u32 v62, $0x400;
	v4 =	vand.u32 $0xFFFFFF80, v62  }
0x56: {  	v3 =	vor.u32 v3, v4;
	_ =	sdelay $0x4  }
0x57: {  	[tilespmem:v3+s2+$0x0] =	vst.idx.msk vm14, v2  }
0x58: {  	v3 =	vld [tilespmem:$0x430];
	_ =	sdelay $0x4  }
0x59: {  	v63 =	vsub.s32 v3, v0  }
0x5a: {  	v3 =	vand.u32 $0x7F, v3;
	vm15 =	vlt.u32 v63, $0x400;
	v4 =	vand.u32 $0xFFFFFF80, v63  }
0x5b: {  	v3 =	vor.u32 v3, v4;
	_ =	sdelay $0x3  }
0x5c: {  	p0 =	sne.s32 s5, $0x1  }
.Ltmp0:
0x5d: {  	[tilespmem:v3+s2+$0x0] =	vst.idx.msk vm15, v2;
	(pc) =	sbr.rel @p0 .LBB2_1-.Ltmp0, $4  }
0x5e: {  	[hbm4b:s4+s2] =	stream.linear.scatter [tilespmem:s2], [sflag:$0x1], $0x400, $0x38;
	[tilespmem:$0x480] =	vst v63  }
0x5f: {  	_ =	swait.ge [sflag:s7], $0x400  }
0x60: {  	[sflag:s7] =	ssyncset.done $0x0  }
0x61: {  	s5 =	sadd.s32 $0xFFFFFFFF, s5;
	[sflag:s7] =	ssyncadd.s32 $0xFFFFFC00  }
0x62: {  	_ =	sfence.sel $0x180000  }
0x63: {  	[bflag:$0x0] =	sbarrier.arrive $0xFFFF  }
0x64: {  	p0 =	sne.s32 s0, $0x0;
	_ =	strace $0x90000047  }
0x65: {  	s0 =	sadd.s32 @!p0 $0x100000, s1;
	[bflag:$0x2] =	sbarrier.arrive $0xFFFF  }
0x66: {  	[sflag:s0] =	ssyncadd.tile.s32 @!p0 $0x1;
	_ =	shalt  }
.Lfunc_end2:
_tile_overlayer_lowered:
.L_overlay_start_2:
0x67: {  	(tag) =	ssettag $0x2  }
0x68: {  	s0 =	rddreg [dreg:$0x0];
	s2 =	stileid.u32  }
0x69: {  	s1 =	rddreg [dreg:$0x1];
	p0 =	sne.s32 s2, $0x0  }
0x6a: {  	s3 =	rddreg [dreg:$0x2];
	[bflag:$0x3] =	sbarrier.arrive $0xFFFF;
	s2 =	simm.s32 @!p0 $0x1C01  }
0x6b: {  	[timem:s3], [sflag:s2] =	dma.local @!p0 [hbm:s0], s1  }
0x6c: {  	s0 =	simm.s32 @!p0 $0x1  }
0x6d: {  	_ =	swait.ge @!p0 [sflag:s0], s1  }
0x6e: {  	s1 =	ssub.s32 @!p0 $0x0, s1;
	[sflag:s0] =	ssyncset.done @!p0 $0x0  }
0x6f: {  	[sflag:s0] =	ssyncadd.s32 @!p0 s1  }
0x70: {  	[bflag:$0x3] =	sbarrier.arrive $0xFFFF  }
0x71: {  	_ =	shalt  }

</sc_bundles>
